<compile_context>
chip_gen: v7x
topology: tpu7x:2x2x1
jax: 0.10.2.dev20260603
libtpu: 0.0.44.dev20260713+nightly
codegen_flags: <defaults>
</compile_context>

<pallas_src>
import functools

import jax
import jax.numpy as jnp
from jax import lax
from jax.experimental import pallas as pl
from jax.experimental.pallas import tpu as pltpu
from jax.experimental.pallas import tpu_sc as plsc

CLS = 1000
FEAT = 64
N = 16384
L = 16
NC = 2
NS = 16
NW = NC * NS
BPW = N // NW
HPW = N // NS
HROW = HPW // 128
MROW = BPW // 128
FGRP = 4
EGRP = NW // FGRP
FPT = FEAT // FGRP
EPT = N // EGRP
MROW2 = EPT // 128
HIST_PAD = 1024


def _body(x_hbm, lab_hbm, centre_hbm, out_hbm,
          x_v, centre_v, labm_v, labh_v, ones_v, hist_v,
          inv_v, mmst_v, acc_v, hist_sh, mm_sh,
          sem_x, sem_c, sem_l):
    c = lax.axis_index("c")
    s = lax.axis_index("s")
    wid = c * NS + s
    fgrp = wid // EGRP
    egrp = wid % EGRP

    pltpu.sync_copy(lab_hbm.at[pl.ds(s * HROW, HROW)], labh_v)
    pending = [
        pltpu.async_copy(
            x_hbm.at[pl.ds(fgrp * FPT, FPT), pl.ds(egrp * EPT, EPT)],
            x_v, sem_x),
        pltpu.async_copy(centre_hbm.at[pl.ds(fgrp * FPT, FPT)], centre_v, sem_c),
        pltpu.async_copy(lab_hbm.at[pl.ds(egrp * MROW2, MROW2)], labm_v, sem_l),
    ]

    zero16 = jnp.zeros((L,), jnp.float32)

    def zstep(j, t):
        hist_v[pl.ds(j * L, L)] = zero16
        return t

    lax.fori_loop(0, HIST_PAD // L, zstep, 0)

    @pl.when(s == 0)
    def _():
        pltpu.sync_copy(hist_v, hist_sh)

    def mmstep(r, mm):
        mn, mx = mm
        for k in range(128 // L):
            v = labh_v[r, pl.ds(k * L, L)].astype(jnp.float32)
            mn = jnp.minimum(mn, v)
            mx = jnp.maximum(mx, v)
        return mn, mx

    minv, maxv = lax.fori_loop(
        0, HROW, mmstep,
        (jnp.full((L,), 1e9, jnp.float32), jnp.full((L,), -1e9, jnp.float32)))
    mmst_v[pl.ds(0, L)] = minv
    mmst_v[pl.ds(L, L)] = maxv
    pltpu.sync_copy(mmst_v, mm_sh.at[pl.ds(2 * L * s, 2 * L)])
    plsc.subcore_barrier()

    pltpu.sync_copy(mm_sh, inv_v.at[pl.ds(0, 2 * L * NS)])

    def gstep(r, mm):
        mn, mx = mm
        mn = jnp.minimum(mn, inv_v[pl.ds(2 * L * r, L)])
        mx = jnp.maximum(mx, inv_v[pl.ds(2 * L * r + L, L)])
        return mn, mx

    minv, maxv = lax.fori_loop(0, NS, gstep, (minv, maxv))
    vmin, vmax = minv[0], maxv[0]
    for j in range(1, L):
        vmin = jnp.minimum(vmin, minv[j])
        vmax = jnp.maximum(vmax, maxv[j])
    span = vmax - vmin
    span = jnp.where(span == 0.0, 1.0, span)

    ones16 = jnp.ones((L,), jnp.float32)
    for k in range(128 // L):
        ones_v[pl.ds(k * L, L)] = ones16
    def bstep(r, t0):
        for k in range(128 // L):
            lab = labh_v[r, pl.ds(k * L, L)].astype(jnp.float32)
            t = (lab - vmin) / span * jnp.float32(CLS)
            b = jnp.clip(t.astype(jnp.int32), 0, CLS - 1)
            labh_v[r, pl.ds(k * L, L)] = b
        return t0

    lax.fori_loop(0, HROW, bstep, 0)
    for r in range(HROW):
        pltpu.sync_copy(ones_v, hist_sh.at[labh_v.at[r]], add=True)
    plsc.subcore_barrier()

    pltpu.sync_copy(hist_sh, hist_v)
    labm_done = pending.pop()
    labm_done.wait()
    def cstep(r, t0):
        for k in range(128 // L):
            lab = labm_v[r, pl.ds(k * L, L)]
            cnt = plsc.load_gather(hist_v, [lab])
            inv_v[pl.ds(r * 128 + k * L, L)] = 1.0 / cnt
        return t0

    lax.fori_loop(0, MROW2, cstep, 0)

    for h in pending:
        h.wait()

    def step(blk, acc):
        labc = labm_v[blk // (128 // L), pl.ds((blk % (128 // L)) * L, L)]
        invc = inv_v[pl.ds(blk * L, L)]
        col = blk * L
        fvec = jnp.zeros((L,), jnp.int32)
        v = jnp.zeros((L,), jnp.float32)
        for f in range(FPT):
            xv = x_v[f, pl.ds(col, L)]
            cv = plsc.load_gather(centre_v, [fvec, labc])
            d = xv - cv
            v = v + d * d
            if f + 1 < FPT:
                fvec = fvec + 1
        return acc + v * invc

    acc = lax.fori_loop(0, EPT // L, step, jnp.zeros((L,), jnp.float32))
    acc_v[...] = acc
    pltpu.sync_copy(acc_v, out_hbm.at[pl.ds(wid * L, L)])


_sc_call = functools.partial(
    pl.kernel,
    mesh=plsc.VectorSubcoreMesh(core_axis_name="c", subcore_axis_name="s"),
    out_type=jax.ShapeDtypeStruct((NW * L,), jnp.float32),
    scratch_types=[
        pltpu.VMEM((FPT, EPT), jnp.float32),
        pltpu.VMEM((FPT, CLS), jnp.float32),
        pltpu.VMEM((MROW2, 128), jnp.int32),
        pltpu.VMEM((HROW, 128), jnp.int32),
        pltpu.VMEM((128,), jnp.float32),
        pltpu.VMEM((HIST_PAD,), jnp.float32),
        pltpu.VMEM((EPT,), jnp.float32),
        pltpu.VMEM((2 * L,), jnp.float32),
        pltpu.VMEM((L,), jnp.float32),
        pltpu.VMEM_SHARED((HIST_PAD,), jnp.float32),
        pltpu.VMEM_SHARED((2 * L * NS,), jnp.float32),
        pltpu.SemaphoreType.DMA,
        pltpu.SemaphoreType.DMA,
        pltpu.SemaphoreType.DMA,
    ],
    compiler_params=pltpu.CompilerParams(needs_layout_passes=False),
)(_body)


def kernel(x, labels, centre):
    partial = _sc_call(x.T, labels.reshape(N // 128, 128), centre.T)
    return jnp.sqrt(jnp.sum(partial))

# --- scband reference (transcript-rebuilt; emitter-appended) ---
"""Pipeline reference for scband-center-loss-80857054314688 (READ-ONLY COPY).

The authoritative reference and input builder live on the scoring server;
editing this copy changes nothing except your own understanding.
"""

import jax, jax.numpy as jnp
import numpy as np

CLS = 1000
FEAT = 64
N = 16384


def _histc(vals, bins, vmin, vmax):
    # Faithful translation of torch.histc(vals, bins, min=vmin, max=vmax):
    # uniform bins over [vmin, vmax], last bin inclusive of vmax.
    span = vmax - vmin
    span = jnp.where(span == 0, jnp.ones_like(span), span)
    idx = jnp.floor((vals - vmin) / span * bins).astype(jnp.int32)
    idx = jnp.clip(idx, 0, bins - 1)
    return jnp.bincount(idx, length=bins)


def setup_inputs(seed: int = 0):
    key = jax.random.key(seed)
    k1, k2, k3 = jax.random.split(key, 3)
    x = jax.random.normal(k1, (N, FEAT), dtype=jnp.float32)
    labels = jax.random.randint(k2, (N,), 0, CLS, dtype=jnp.int32)
    # learned parameter: class centres, sized per init_kwargs (cls, features)
    centre = jax.random.normal(k3, (CLS, FEAT), dtype=jnp.float32)
    return {"x": x, "labels": labels, "centre": centre}


def reference(x, labels, centre):
    # centre = self.centre[labels]  (gather)
    centre_g = jnp.take(centre, labels, axis=0)
    lab_f = labels.astype(jnp.float32)
    # count = torch.histc(labels.float(), bins=cls, min=min(labels), max=max(labels))[labels]
    hist = _histc(lab_f, CLS, lab_f.min(), lab_f.max())
    count = jnp.take(hist, labels, axis=0).astype(jnp.float32)
    # distance = sum(sum((x - centre)**2, dim=1) / count)
    distance = jnp.sum(jnp.sum((x.astype(jnp.float32) - centre_g.astype(jnp.float32)) ** 2, axis=1) / count)
    return jnp.sqrt(distance)

if __name__ == "__main__":
    import jax
    _d = setup_inputs()
    print(jax.jit(kernel)(*tuple(_d.values())))

</pallas_src>

<mosaic_0001>
#map = affine_map<(d0, d1) -> (0, 0)>
#map1 = affine_map<(d0, d1) -> (0)>
module attributes {stable_mosaic.version = 14 : i64} {
  func.func @_body(%arg0: i32, %arg1: i32, %arg2: memref<64x16384xf32, #tpu.memory_space<hbm>>, %arg3: memref<128x128xi32, #tpu.memory_space<hbm>>, %arg4: memref<64x1000xf32, #tpu.memory_space<hbm>>, %arg5: memref<512xf32, #tpu.memory_space<hbm>>, %arg6: memref<16x2048xf32, #tpu.memory_space<vmem>>, %arg7: memref<16x1000xf32, #tpu.memory_space<vmem>>, %arg8: memref<16x128xi32, #tpu.memory_space<vmem>>, %arg9: memref<8x128xi32, #tpu.memory_space<vmem>>, %arg10: memref<128xf32, #tpu.memory_space<vmem>>, %arg11: memref<1024xf32, #tpu.memory_space<vmem>>, %arg12: memref<2048xf32, #tpu.memory_space<vmem>>, %arg13: memref<32xf32, #tpu.memory_space<vmem>>, %arg14: memref<16xf32, #tpu.memory_space<vmem>>, %arg15: memref<1024xf32, #tpu.memory_space<vmem_shared>>, %arg16: memref<512xf32, #tpu.memory_space<vmem_shared>>, %arg17: memref<!tpu.dma_semaphore, #tpu.memory_space<semaphore_mem>>, %arg18: memref<!tpu.dma_semaphore, #tpu.memory_space<semaphore_mem>>, %arg19: memref<!tpu.dma_semaphore, #tpu.memory_space<semaphore_mem>>) attributes {dimension_semantics = [#tpu.dimension_semantics<core_parallel>, #tpu.dimension_semantics<subcore_parallel>], iteration_bounds = array<i64: 2, 16>, scalar_prefetch = 0 : i64, scratch_operands = 14 : i64, tpu.core_type = #tpu.core_type<sc_vector_subcore>, window_params = [{transform_indices = #map}, {transform_indices = #map}, {transform_indices = #map}, {transform_indices = #map1}]} {
    %mul3A = arith.constant 16 : i32
    %mul3A_0 = arith.muli %arg0, %mul3A : i32
    %add3A = arith.addi %mul3A_0, %arg1 : i32
    %jit3A = arith.constant 8 : i32
    %div3A = arith.divsi %add3A, %jit3A : i32
    %sign3A = arith.constant 0 : i32
    %sign3A_1 = arith.cmpi sgt, %add3A, %sign3A : i32
    %sign3A_2 = arith.extui %sign3A_1 : i1 to i32
    %sign3A_3 = arith.constant 0 : i32
    %sign3A_4 = arith.cmpi slt, %add3A, %sign3A_3 : i32
    %sign3A_5 = arith.extui %sign3A_4 : i1 to i32
    %sign3A_6 = arith.subi %sign3A_2, %sign3A_5 : i32
    %sign3A_7 = arith.constant 0 : i32
    %sign3A_8 = arith.cmpi sgt, %jit3A, %sign3A_7 : i32
    %sign3A_9 = arith.extui %sign3A_8 : i1 to i32
    %sign3A_10 = arith.constant 0 : i32
    %sign3A_11 = arith.cmpi slt, %jit3A, %sign3A_10 : i32
    %sign3A_12 = arith.extui %sign3A_11 : i1 to i32
    %sign3A_13 = arith.subi %sign3A_9, %sign3A_12 : i32
    %ne3A = arith.cmpi ne, %sign3A_6, %sign3A_13 : i32
    %rem3A = arith.remsi %add3A, %jit3A : i32
    %ne3A_14 = arith.constant 0 : i32
    %ne3A_15 = arith.cmpi ne, %rem3A, %ne3A_14 : i32
    %and3A = arith.andi %ne3A, %ne3A_15 : i1
    %sub3A = arith.constant 1 : i32
    %sub3A_16 = arith.subi %div3A, %sub3A : i32
    %select_n3A = arith.select %and3A, %sub3A_16, %div3A : i32
    %jit3A_17 = arith.constant 8 : i32
    %eq3A = arith.constant 0 : i32
    %eq3A_18 = arith.cmpi eq, %jit3A_17, %eq3A : i32
    %jit3A_19 = arith.constant 1 : i32
    %select_n3A_20 = arith.select %eq3A_18, %jit3A_19, %jit3A_17 : i32
    %rem3A_21 = arith.remsi %add3A, %select_n3A_20 : i32
    %ne3A_22 = arith.constant 0 : i32
    %ne3A_23 = arith.cmpi ne, %rem3A_21, %ne3A_22 : i32
    %lt3A = arith.constant 0 : i32
    %lt3A_24 = arith.cmpi slt, %rem3A_21, %lt3A : i32
    %lt3A_25 = arith.constant 0 : i32
    %lt3A_26 = arith.cmpi slt, %select_n3A_20, %lt3A_25 : i32
    %ne3A_27 = arith.xori %lt3A_24, %lt3A_26 : i1
    %and3A_28 = arith.andi %ne3A_27, %ne3A_23 : i1
    %add3A_29 = arith.addi %rem3A_21, %select_n3A_20 : i32
    %select_n3A_30 = arith.select %and3A_28, %add3A_29, %rem3A_21 : i32
    %mul3A_31 = arith.constant 8 : i32
    %mul3A_32 = arith.muli %arg1, %mul3A_31 : i32
    "tpu.region"() ({
      %run_scoped3A_234 = tpu.sem_alloc : memref<!tpu.dma_semaphore, #tpu.memory_space<semaphore_mem>>
      %dma_start3A_235 = arith.constant 0 : i32
      %dma_start3A_236 = tpu.memref_slice %arg3[%mul3A_32, %dma_start3A_235] : memref<128x128xi32, #tpu.memory_space<hbm>> -> memref<8x128xi32, #tpu.memory_space<hbm>>
      %dma_start3A_237 = arith.constant 0 : i32
      %dma_start3A_238 = tpu.memref_slice %arg3[%mul3A_32, %dma_start3A_237] : memref<128x128xi32, #tpu.memory_space<hbm>> -> memref<8x128xi32, #tpu.memory_space<hbm>>
      tpu.enqueue_dma source(%dma_start3A_238 : memref<8x128xi32, #tpu.memory_space<hbm>>) target(%arg9 : memref<8x128xi32, #tpu.memory_space<vmem>>) target_semaphore(%run_scoped3A_234 : memref<!tpu.dma_semaphore, #tpu.memory_space<semaphore_mem>>)
      %dma_wait3A_239 = arith.constant 0 : i32
      %dma_wait3A_240 = tpu.memref_slice %arg3[%mul3A_32, %dma_wait3A_239] : memref<128x128xi32, #tpu.memory_space<hbm>> -> memref<8x128xi32, #tpu.memory_space<hbm>>
      %dma_wait3A_241 = arith.constant 0 : i32
      %dma_wait3A_242 = tpu.memref_slice %arg3[%mul3A_32, %dma_wait3A_241] : memref<128x128xi32, #tpu.memory_space<hbm>> -> memref<8x128xi32, #tpu.memory_space<hbm>>
      tpu.wait_dma2 semaphore(%run_scoped3A_234 : memref<!tpu.dma_semaphore, #tpu.memory_space<semaphore_mem>>) src(%dma_wait3A_242 : memref<8x128xi32, #tpu.memory_space<hbm>>) dst(%arg9 : memref<8x128xi32, #tpu.memory_space<vmem>>)
      tpu.yield
    }) : () -> ()
    %mul3A_33 = arith.constant 16 : i32
    %mul3A_34 = arith.muli %select_n3A, %mul3A_33 : i32
    %mul3A_35 = arith.constant 2048 : i32
    %mul3A_36 = arith.muli %select_n3A_30, %mul3A_35 : i32
    %dma_start3A = tpu.memref_slice %arg2[%mul3A_34, %mul3A_36] : memref<64x16384xf32, #tpu.memory_space<hbm>> -> memref<16x2048xf32, #tpu.memory_space<hbm>>
    %dma_start3A_37 = tpu.memref_slice %arg2[%mul3A_34, %mul3A_36] : memref<64x16384xf32, #tpu.memory_space<hbm>> -> memref<16x2048xf32, #tpu.memory_space<hbm>>
    tpu.enqueue_dma source(%dma_start3A_37 : memref<16x2048xf32, #tpu.memory_space<hbm>>) target(%arg6 : memref<16x2048xf32, #tpu.memory_space<vmem>>) target_semaphore(%arg17 : memref<!tpu.dma_semaphore, #tpu.memory_space<semaphore_mem>>)
    %mul3A_38 = arith.constant 16 : i32
    %mul3A_39 = arith.muli %select_n3A, %mul3A_38 : i32
    %dma_start3A_40 = arith.constant 0 : i32
    %dma_start3A_41 = tpu.memref_slice %arg4[%mul3A_39, %dma_start3A_40] : memref<64x1000xf32, #tpu.memory_space<hbm>> -> memref<16x1000xf32, #tpu.memory_space<hbm>>
    %dma_start3A_42 = arith.constant 0 : i32
    %dma_start3A_43 = tpu.memref_slice %arg4[%mul3A_39, %dma_start3A_42] : memref<64x1000xf32, #tpu.memory_space<hbm>> -> memref<16x1000xf32, #tpu.memory_space<hbm>>
    tpu.enqueue_dma source(%dma_start3A_43 : memref<16x1000xf32, #tpu.memory_space<hbm>>) target(%arg7 : memref<16x1000xf32, #tpu.memory_space<vmem>>) target_semaphore(%arg18 : memref<!tpu.dma_semaphore, #tpu.memory_space<semaphore_mem>>)
    %mul3A_44 = arith.constant 16 : i32
    %mul3A_45 = arith.muli %select_n3A_30, %mul3A_44 : i32
    %dma_start3A_46 = arith.constant 0 : i32
    %dma_start3A_47 = tpu.memref_slice %arg3[%mul3A_45, %dma_start3A_46] : memref<128x128xi32, #tpu.memory_space<hbm>> -> memref<16x128xi32, #tpu.memory_space<hbm>>
    %dma_start3A_48 = arith.constant 0 : i32
    %dma_start3A_49 = tpu.memref_slice %arg3[%mul3A_45, %dma_start3A_48] : memref<128x128xi32, #tpu.memory_space<hbm>> -> memref<16x128xi32, #tpu.memory_space<hbm>>
    tpu.enqueue_dma source(%dma_start3A_49 : memref<16x128xi32, #tpu.memory_space<hbm>>) target(%arg8 : memref<16x128xi32, #tpu.memory_space<vmem>>) target_semaphore(%arg19 : memref<!tpu.dma_semaphore, #tpu.memory_space<semaphore_mem>>)
    %broadcast_in_dim3A = arith.constant 0.000000e+00 : f32
    %broadcast_in_dim3A_50 = vector.broadcast %broadcast_in_dim3A : f32 to vector<16xf32>
    %scan3A = arith.constant 0 : i32
    %scan3A_51 = arith.constant 0 : i32
    %scan3A_52 = arith.constant 64 : i32
    %scan3A_53 = arith.addi %scan3A_51, %scan3A_52 : i32
    %scan3A_54 = arith.constant 1 : i32
    scf.for %scan3A_234 = %scan3A_51 to %scan3A_53 step %scan3A_54  : i32 {
      %mul3A_235 = arith.constant 16 : i32
      %mul3A_236 = arith.muli %scan3A_234, %mul3A_235 : i32
      %swap3A_237 = arith.index_cast %mul3A_236 : i32 to index
      %swap3A_238 = tpu.vector_load %arg11[%swap3A_237] {strides = array<i32>} : memref<1024xf32, #tpu.memory_space<vmem>>, vector<16xf32>,
      tpu.vector_store %arg11[%swap3A_237], %broadcast_in_dim3A_50 {strides = array<i32>} : memref<1024xf32, #tpu.memory_space<vmem>>, vector<16xf32>,
    }
    %scan3A_55 = arith.constant 64 : i32
    %eq3A_56 = arith.constant 0 : i32
    %eq3A_57 = arith.cmpi eq, %arg1, %eq3A_56 : i32
    %convert_element_type3A = arith.extui %eq3A_57 : i1 to i32
    %cond3A = arith.constant 0 : i32
    %cond3A_58 = arith.cmpi ne, %convert_element_type3A, %cond3A : i32
    scf.if %cond3A_58 {
      "tpu.region"() ({
        %run_scoped3A_234 = tpu.sem_alloc : memref<!tpu.dma_semaphore, #tpu.memory_space<semaphore_mem>>
        tpu.enqueue_dma source(%arg11 : memref<1024xf32, #tpu.memory_space<vmem>>) target(%arg15 : memref<1024xf32, #tpu.memory_space<vmem_shared>>) target_semaphore(%run_scoped3A_234 : memref<!tpu.dma_semaphore, #tpu.memory_space<semaphore_mem>>)
        tpu.wait_dma2 semaphore(%run_scoped3A_234 : memref<!tpu.dma_semaphore, #tpu.memory_space<semaphore_mem>>) src(%arg11 : memref<1024xf32, #tpu.memory_space<vmem>>) dst(%arg15 : memref<1024xf32, #tpu.memory_space<vmem_shared>>)
        tpu.yield
      }) : () -> ()
    } else {
    }
    %broadcast_in_dim3A_59 = arith.constant 1.000000e+09 : f32
    %broadcast_in_dim3A_60 = vector.broadcast %broadcast_in_dim3A_59 : f32 to vector<16xf32>
    %broadcast_in_dim3A_61 = arith.constant -1.000000e+09 : f32
    %broadcast_in_dim3A_62 = vector.broadcast %broadcast_in_dim3A_61 : f32 to vector<16xf32>
    %scan3A_63 = arith.constant 0 : i32
    %scan3A_64 = arith.constant 8 : i32
    %scan3A_65 = arith.addi %scan3A_63, %scan3A_64 : i32
    %scan3A_66 = arith.constant 1 : i32
    %scan3A_67:2 = scf.for %scan3A_234 = %scan3A_63 to %scan3A_65 step %scan3A_66 iter_args(%scan3A_235 = %broadcast_in_dim3A_60, %scan3A_236 = %broadcast_in_dim3A_62) -> (vector<16xf32>, vector<16xf32>)  : i32 {
      %get3A = arith.index_cast %scan3A_234 : i32 to index
      %get3A_237 = arith.constant 0 : index
      %get3A_238 = tpu.vector_load %arg9[%get3A, %get3A_237] {strides = array<i32>} : memref<8x128xi32, #tpu.memory_space<vmem>>, vector<16xi32>,
      %convert_element_type3A_239 = arith.sitofp %get3A_238 : vector<16xi32> to vector<16xf32>
      %min3A_240 = arith.minimumf %scan3A_235, %convert_element_type3A_239 : vector<16xf32>
      %max3A_241 = arith.maximumf %scan3A_236, %convert_element_type3A_239 : vector<16xf32>
      %get3A_242 = arith.index_cast %scan3A_234 : i32 to index
      %get3A_243 = arith.constant 16 : index
      %get3A_244 = tpu.vector_load %arg9[%get3A_242, %get3A_243] {strides = array<i32>} : memref<8x128xi32, #tpu.memory_space<vmem>>, vector<16xi32>,
      %convert_element_type3A_245 = arith.sitofp %get3A_244 : vector<16xi32> to vector<16xf32>
      %min3A_246 = arith.minimumf %min3A_240, %convert_element_type3A_245 : vector<16xf32>
      %max3A_247 = arith.maximumf %max3A_241, %convert_element_type3A_245 : vector<16xf32>
      %get3A_248 = arith.index_cast %scan3A_234 : i32 to index
      %get3A_249 = arith.constant 32 : index
      %get3A_250 = tpu.vector_load %arg9[%get3A_248, %get3A_249] {strides = array<i32>} : memref<8x128xi32, #tpu.memory_space<vmem>>, vector<16xi32>,
      %convert_element_type3A_251 = arith.sitofp %get3A_250 : vector<16xi32> to vector<16xf32>
      %min3A_252 = arith.minimumf %min3A_246, %convert_element_type3A_251 : vector<16xf32>
      %max3A_253 = arith.maximumf %max3A_247, %convert_element_type3A_251 : vector<16xf32>
      %get3A_254 = arith.index_cast %scan3A_234 : i32 to index
      %get3A_255 = arith.constant 48 : index
      %get3A_256 = tpu.vector_load %arg9[%get3A_254, %get3A_255] {strides = array<i32>} : memref<8x128xi32, #tpu.memory_space<vmem>>, vector<16xi32>,
      %convert_element_type3A_257 = arith.sitofp %get3A_256 : vector<16xi32> to vector<16xf32>
      %min3A_258 = arith.minimumf %min3A_252, %convert_element_type3A_257 : vector<16xf32>
      %max3A_259 = arith.maximumf %max3A_253, %convert_element_type3A_257 : vector<16xf32>
      %get3A_260 = arith.index_cast %scan3A_234 : i32 to index
      %get3A_261 = arith.constant 64 : index
      %get3A_262 = tpu.vector_load %arg9[%get3A_260, %get3A_261] {strides = array<i32>} : memref<8x128xi32, #tpu.memory_space<vmem>>, vector<16xi32>,
      %convert_element_type3A_263 = arith.sitofp %get3A_262 : vector<16xi32> to vector<16xf32>
      %min3A_264 = arith.minimumf %min3A_258, %convert_element_type3A_263 : vector<16xf32>
      %max3A_265 = arith.maximumf %max3A_259, %convert_element_type3A_263 : vector<16xf32>
      %get3A_266 = arith.index_cast %scan3A_234 : i32 to index
      %get3A_267 = arith.constant 80 : index
      %get3A_268 = tpu.vector_load %arg9[%get3A_266, %get3A_267] {strides = array<i32>} : memref<8x128xi32, #tpu.memory_space<vmem>>, vector<16xi32>,
      %convert_element_type3A_269 = arith.sitofp %get3A_268 : vector<16xi32> to vector<16xf32>
      %min3A_270 = arith.minimumf %min3A_264, %convert_element_type3A_269 : vector<16xf32>
      %max3A_271 = arith.maximumf %max3A_265, %convert_element_type3A_269 : vector<16xf32>
      %get3A_272 = arith.index_cast %scan3A_234 : i32 to index
      %get3A_273 = arith.constant 96 : index
      %get3A_274 = tpu.vector_load %arg9[%get3A_272, %get3A_273] {strides = array<i32>} : memref<8x128xi32, #tpu.memory_space<vmem>>, vector<16xi32>,
      %convert_element_type3A_275 = arith.sitofp %get3A_274 : vector<16xi32> to vector<16xf32>
      %min3A_276 = arith.minimumf %min3A_270, %convert_element_type3A_275 : vector<16xf32>
      %max3A_277 = arith.maximumf %max3A_271, %convert_element_type3A_275 : vector<16xf32>
      %get3A_278 = arith.index_cast %scan3A_234 : i32 to index
      %get3A_279 = arith.constant 112 : index
      %get3A_280 = tpu.vector_load %arg9[%get3A_278, %get3A_279] {strides = array<i32>} : memref<8x128xi32, #tpu.memory_space<vmem>>, vector<16xi32>,
      %convert_element_type3A_281 = arith.sitofp %get3A_280 : vector<16xi32> to vector<16xf32>
      %min3A_282 = arith.minimumf %min3A_276, %convert_element_type3A_281 : vector<16xf32>
      %max3A_283 = arith.maximumf %max3A_277, %convert_element_type3A_281 : vector<16xf32>
      scf.yield %min3A_282, %max3A_283 : vector<16xf32>, vector<16xf32>
    }
    %scan3A_68 = arith.constant 8 : i32
    %swap3A = arith.constant 0 : index
    %swap3A_69 = tpu.vector_load %arg13[%swap3A] {strides = array<i32>} : memref<32xf32, #tpu.memory_space<vmem>>, vector<16xf32>,
    tpu.vector_store %arg13[%swap3A], %scan3A_67#0 {strides = array<i32>} : memref<32xf32, #tpu.memory_space<vmem>>, vector<16xf32>,
    %swap3A_70 = arith.constant 16 : index
    %swap3A_71 = tpu.vector_load %arg13[%swap3A_70] {strides = array<i32>} : memref<32xf32, #tpu.memory_space<vmem>>, vector<16xf32>,
    tpu.vector_store %arg13[%swap3A_70], %scan3A_67#1 {strides = array<i32>} : memref<32xf32, #tpu.memory_space<vmem>>, vector<16xf32>,
    %mul3A_72 = arith.constant 32 : i32
    %mul3A_73 = arith.muli %mul3A_72, %arg1 : i32
    "tpu.region"() ({
      %run_scoped3A_234 = tpu.sem_alloc : memref<!tpu.dma_semaphore, #tpu.memory_space<semaphore_mem>>
      %dma_start3A_235 = tpu.memref_slice %arg16[%mul3A_73] : memref<512xf32, #tpu.memory_space<vmem_shared>> -> memref<32xf32, #tpu.memory_space<vmem_shared>>
      %dma_start3A_236 = tpu.memref_slice %arg16[%mul3A_73] : memref<512xf32, #tpu.memory_space<vmem_shared>> -> memref<32xf32, #tpu.memory_space<vmem_shared>>
      tpu.enqueue_dma source(%arg13 : memref<32xf32, #tpu.memory_space<vmem>>) target(%dma_start3A_236 : memref<32xf32, #tpu.memory_space<vmem_shared>>) target_semaphore(%run_scoped3A_234 : memref<!tpu.dma_semaphore, #tpu.memory_space<semaphore_mem>>)
      %dma_wait3A_237 = tpu.memref_slice %arg16[%mul3A_73] : memref<512xf32, #tpu.memory_space<vmem_shared>> -> memref<32xf32, #tpu.memory_space<vmem_shared>>
      %dma_wait3A_238 = tpu.memref_slice %arg16[%mul3A_73] : memref<512xf32, #tpu.memory_space<vmem_shared>> -> memref<32xf32, #tpu.memory_space<vmem_shared>>
      tpu.wait_dma2 semaphore(%run_scoped3A_234 : memref<!tpu.dma_semaphore, #tpu.memory_space<semaphore_mem>>) src(%arg13 : memref<32xf32, #tpu.memory_space<vmem>>) dst(%dma_wait3A_238 : memref<32xf32, #tpu.memory_space<vmem_shared>>)
      tpu.yield
    }) : () -> ()
    %barrier3A = arith.constant 0 : index
    tpu.barrier barrier_id(%barrier3A)
    "tpu.region"() ({
      %run_scoped3A_234 = tpu.sem_alloc : memref<!tpu.dma_semaphore, #tpu.memory_space<semaphore_mem>>
      %dma_start3A_235 = arith.constant 0 : i32
      %dma_start3A_236 = tpu.memref_slice %arg12[%dma_start3A_235] : memref<2048xf32, #tpu.memory_space<vmem>> -> memref<512xf32, #tpu.memory_space<vmem>>
      %dma_start3A_237 = arith.constant 0 : i32
      %dma_start3A_238 = tpu.memref_slice %arg12[%dma_start3A_237] : memref<2048xf32, #tpu.memory_space<vmem>> -> memref<512xf32, #tpu.memory_space<vmem>>
      tpu.enqueue_dma source(%arg16 : memref<512xf32, #tpu.memory_space<vmem_shared>>) target(%dma_start3A_238 : memref<512xf32, #tpu.memory_space<vmem>>) target_semaphore(%run_scoped3A_234 : memref<!tpu.dma_semaphore, #tpu.memory_space<semaphore_mem>>)
      %dma_wait3A_239 = arith.constant 0 : i32
      %dma_wait3A_240 = tpu.memref_slice %arg12[%dma_wait3A_239] : memref<2048xf32, #tpu.memory_space<vmem>> -> memref<512xf32, #tpu.memory_space<vmem>>
      %dma_wait3A_241 = arith.constant 0 : i32
      %dma_wait3A_242 = tpu.memref_slice %arg12[%dma_wait3A_241] : memref<2048xf32, #tpu.memory_space<vmem>> -> memref<512xf32, #tpu.memory_space<vmem>>
      tpu.wait_dma2 semaphore(%run_scoped3A_234 : memref<!tpu.dma_semaphore, #tpu.memory_space<semaphore_mem>>) src(%arg16 : memref<512xf32, #tpu.memory_space<vmem_shared>>) dst(%dma_wait3A_242 : memref<512xf32, #tpu.memory_space<vmem>>)
      tpu.yield
    }) : () -> ()
    %scan3A_74 = arith.constant 0 : i32
    %scan3A_75 = arith.constant 16 : i32
    %scan3A_76 = arith.addi %scan3A_74, %scan3A_75 : i32
    %scan3A_77 = arith.constant 1 : i32
    %scan3A_78:2 = scf.for %scan3A_234 = %scan3A_74 to %scan3A_76 step %scan3A_77 iter_args(%scan3A_235 = %scan3A_67#0, %scan3A_236 = %scan3A_67#1) -> (vector<16xf32>, vector<16xf32>)  : i32 {
      %mul3A_237 = arith.constant 32 : i32
      %mul3A_238 = arith.muli %mul3A_237, %scan3A_234 : i32
      %get3A = arith.index_cast %mul3A_238 : i32 to index
      %get3A_239 = tpu.vector_load %arg12[%get3A] {strides = array<i32>} : memref<2048xf32, #tpu.memory_space<vmem>>, vector<16xf32>,
      %min3A_240 = arith.minimumf %scan3A_235, %get3A_239 : vector<16xf32>
      %mul3A_241 = arith.constant 32 : i32
      %mul3A_242 = arith.muli %mul3A_241, %scan3A_234 : i32
      %add3A_243 = arith.constant 16 : i32
      %add3A_244 = arith.addi %mul3A_242, %add3A_243 : i32
      %get3A_245 = arith.index_cast %add3A_244 : i32 to index
      %get3A_246 = tpu.vector_load %arg12[%get3A_245] {strides = array<i32>} : memref<2048xf32, #tpu.memory_space<vmem>>, vector<16xf32>,
      %max3A_247 = arith.maximumf %scan3A_236, %get3A_246 : vector<16xf32>
      scf.yield %min3A_240, %max3A_247 : vector<16xf32>, vector<16xf32>
    }
    %scan3A_79 = arith.constant 16 : i32
    %slice3A = vector.extract_strided_slice %scan3A_78#0 {offsets = [0], sizes = [1], strides = [1]} : vector<16xf32> to vector<1xf32>
    %squeeze3A = vector.extract %slice3A[0] : f32 from vector<1xf32>
    %slice3A_80 = vector.extract_strided_slice %scan3A_78#1 {offsets = [0], sizes = [1], strides = [1]} : vector<16xf32> to vector<1xf32>
    %squeeze3A_81 = vector.extract %slice3A_80[0] : f32 from vector<1xf32>
    %slice3A_82 = vector.extract_strided_slice %scan3A_78#0 {offsets = [1], sizes = [1], strides = [1]} : vector<16xf32> to vector<1xf32>
    %squeeze3A_83 = vector.extract %slice3A_82[0] : f32 from vector<1xf32>
    %min3A = arith.minimumf %squeeze3A, %squeeze3A_83 : f32
    %slice3A_84 = vector.extract_strided_slice %scan3A_78#1 {offsets = [1], sizes = [1], strides = [1]} : vector<16xf32> to vector<1xf32>
    %squeeze3A_85 = vector.extract %slice3A_84[0] : f32 from vector<1xf32>
    %max3A = arith.maximumf %squeeze3A_81, %squeeze3A_85 : f32
    %slice3A_86 = vector.extract_strided_slice %scan3A_78#0 {offsets = [2], sizes = [1], strides = [1]} : vector<16xf32> to vector<1xf32>
    %squeeze3A_87 = vector.extract %slice3A_86[0] : f32 from vector<1xf32>
    %min3A_88 = arith.minimumf %min3A, %squeeze3A_87 : f32
    %slice3A_89 = vector.extract_strided_slice %scan3A_78#1 {offsets = [2], sizes = [1], strides = [1]} : vector<16xf32> to vector<1xf32>
    %squeeze3A_90 = vector.extract %slice3A_89[0] : f32 from vector<1xf32>
    %max3A_91 = arith.maximumf %max3A, %squeeze3A_90 : f32
    %slice3A_92 = vector.extract_strided_slice %scan3A_78#0 {offsets = [3], sizes = [1], strides = [1]} : vector<16xf32> to vector<1xf32>
    %squeeze3A_93 = vector.extract %slice3A_92[0] : f32 from vector<1xf32>
    %min3A_94 = arith.minimumf %min3A_88, %squeeze3A_93 : f32
    %slice3A_95 = vector.extract_strided_slice %scan3A_78#1 {offsets = [3], sizes = [1], strides = [1]} : vector<16xf32> to vector<1xf32>
    %squeeze3A_96 = vector.extract %slice3A_95[0] : f32 from vector<1xf32>
    %max3A_97 = arith.maximumf %max3A_91, %squeeze3A_96 : f32
    %slice3A_98 = vector.extract_strided_slice %scan3A_78#0 {offsets = [4], sizes = [1], strides = [1]} : vector<16xf32> to vector<1xf32>
    %squeeze3A_99 = vector.extract %slice3A_98[0] : f32 from vector<1xf32>
    %min3A_100 = arith.minimumf %min3A_94, %squeeze3A_99 : f32
    %slice3A_101 = vector.extract_strided_slice %scan3A_78#1 {offsets = [4], sizes = [1], strides = [1]} : vector<16xf32> to vector<1xf32>
    %squeeze3A_102 = vector.extract %slice3A_101[0] : f32 from vector<1xf32>
    %max3A_103 = arith.maximumf %max3A_97, %squeeze3A_102 : f32
    %slice3A_104 = vector.extract_strided_slice %scan3A_78#0 {offsets = [5], sizes = [1], strides = [1]} : vector<16xf32> to vector<1xf32>
    %squeeze3A_105 = vector.extract %slice3A_104[0] : f32 from vector<1xf32>
    %min3A_106 = arith.minimumf %min3A_100, %squeeze3A_105 : f32
    %slice3A_107 = vector.extract_strided_slice %scan3A_78#1 {offsets = [5], sizes = [1], strides = [1]} : vector<16xf32> to vector<1xf32>
    %squeeze3A_108 = vector.extract %slice3A_107[0] : f32 from vector<1xf32>
    %max3A_109 = arith.maximumf %max3A_103, %squeeze3A_108 : f32
    %slice3A_110 = vector.extract_strided_slice %scan3A_78#0 {offsets = [6], sizes = [1], strides = [1]} : vector<16xf32> to vector<1xf32>
    %squeeze3A_111 = vector.extract %slice3A_110[0] : f32 from vector<1xf32>
    %min3A_112 = arith.minimumf %min3A_106, %squeeze3A_111 : f32
    %slice3A_113 = vector.extract_strided_slice %scan3A_78#1 {offsets = [6], sizes = [1], strides = [1]} : vector<16xf32> to vector<1xf32>
    %squeeze3A_114 = vector.extract %slice3A_113[0] : f32 from vector<1xf32>
    %max3A_115 = arith.maximumf %max3A_109, %squeeze3A_114 : f32
    %slice3A_116 = vector.extract_strided_slice %scan3A_78#0 {offsets = [7], sizes = [1], strides = [1]} : vector<16xf32> to vector<1xf32>
    %squeeze3A_117 = vector.extract %slice3A_116[0] : f32 from vector<1xf32>
    %min3A_118 = arith.minimumf %min3A_112, %squeeze3A_117 : f32
    %slice3A_119 = vector.extract_strided_slice %scan3A_78#1 {offsets = [7], sizes = [1], strides = [1]} : vector<16xf32> to vector<1xf32>
    %squeeze3A_120 = vector.extract %slice3A_119[0] : f32 from vector<1xf32>
    %max3A_121 = arith.maximumf %max3A_115, %squeeze3A_120 : f32
    %slice3A_122 = vector.extract_strided_slice %scan3A_78#0 {offsets = [8], sizes = [1], strides = [1]} : vector<16xf32> to vector<1xf32>
    %squeeze3A_123 = vector.extract %slice3A_122[0] : f32 from vector<1xf32>
    %min3A_124 = arith.minimumf %min3A_118, %squeeze3A_123 : f32
    %slice3A_125 = vector.extract_strided_slice %scan3A_78#1 {offsets = [8], sizes = [1], strides = [1]} : vector<16xf32> to vector<1xf32>
    %squeeze3A_126 = vector.extract %slice3A_125[0] : f32 from vector<1xf32>
    %max3A_127 = arith.maximumf %max3A_121, %squeeze3A_126 : f32
    %slice3A_128 = vector.extract_strided_slice %scan3A_78#0 {offsets = [9], sizes = [1], strides = [1]} : vector<16xf32> to vector<1xf32>
    %squeeze3A_129 = vector.extract %slice3A_128[0] : f32 from vector<1xf32>
    %min3A_130 = arith.minimumf %min3A_124, %squeeze3A_129 : f32
    %slice3A_131 = vector.extract_strided_slice %scan3A_78#1 {offsets = [9], sizes = [1], strides = [1]} : vector<16xf32> to vector<1xf32>
    %squeeze3A_132 = vector.extract %slice3A_131[0] : f32 from vector<1xf32>
    %max3A_133 = arith.maximumf %max3A_127, %squeeze3A_132 : f32
    %slice3A_134 = vector.extract_strided_slice %scan3A_78#0 {offsets = [10], sizes = [1], strides = [1]} : vector<16xf32> to vector<1xf32>
    %squeeze3A_135 = vector.extract %slice3A_134[0] : f32 from vector<1xf32>
    %min3A_136 = arith.minimumf %min3A_130, %squeeze3A_135 : f32
    %slice3A_137 = vector.extract_strided_slice %scan3A_78#1 {offsets = [10], sizes = [1], strides = [1]} : vector<16xf32> to vector<1xf32>
    %squeeze3A_138 = vector.extract %slice3A_137[0] : f32 from vector<1xf32>
    %max3A_139 = arith.maximumf %max3A_133, %squeeze3A_138 : f32
    %slice3A_140 = vector.extract_strided_slice %scan3A_78#0 {offsets = [11], sizes = [1], strides = [1]} : vector<16xf32> to vector<1xf32>
    %squeeze3A_141 = vector.extract %slice3A_140[0] : f32 from vector<1xf32>
    %min3A_142 = arith.minimumf %min3A_136, %squeeze3A_141 : f32
    %slice3A_143 = vector.extract_strided_slice %scan3A_78#1 {offsets = [11], sizes = [1], strides = [1]} : vector<16xf32> to vector<1xf32>
    %squeeze3A_144 = vector.extract %slice3A_143[0] : f32 from vector<1xf32>
    %max3A_145 = arith.maximumf %max3A_139, %squeeze3A_144 : f32
    %slice3A_146 = vector.extract_strided_slice %scan3A_78#0 {offsets = [12], sizes = [1], strides = [1]} : vector<16xf32> to vector<1xf32>
    %squeeze3A_147 = vector.extract %slice3A_146[0] : f32 from vector<1xf32>
    %min3A_148 = arith.minimumf %min3A_142, %squeeze3A_147 : f32
    %slice3A_149 = vector.extract_strided_slice %scan3A_78#1 {offsets = [12], sizes = [1], strides = [1]} : vector<16xf32> to vector<1xf32>
    %squeeze3A_150 = vector.extract %slice3A_149[0] : f32 from vector<1xf32>
    %max3A_151 = arith.maximumf %max3A_145, %squeeze3A_150 : f32
    %slice3A_152 = vector.extract_strided_slice %scan3A_78#0 {offsets = [13], sizes = [1], strides = [1]} : vector<16xf32> to vector<1xf32>
    %squeeze3A_153 = vector.extract %slice3A_152[0] : f32 from vector<1xf32>
    %min3A_154 = arith.minimumf %min3A_148, %squeeze3A_153 : f32
    %slice3A_155 = vector.extract_strided_slice %scan3A_78#1 {offsets = [13], sizes = [1], strides = [1]} : vector<16xf32> to vector<1xf32>
    %squeeze3A_156 = vector.extract %slice3A_155[0] : f32 from vector<1xf32>
    %max3A_157 = arith.maximumf %max3A_151, %squeeze3A_156 : f32
    %slice3A_158 = vector.extract_strided_slice %scan3A_78#0 {offsets = [14], sizes = [1], strides = [1]} : vector<16xf32> to vector<1xf32>
    %squeeze3A_159 = vector.extract %slice3A_158[0] : f32 from vector<1xf32>
    %min3A_160 = arith.minimumf %min3A_154, %squeeze3A_159 : f32
    %slice3A_161 = vector.extract_strided_slice %scan3A_78#1 {offsets = [14], sizes = [1], strides = [1]} : vector<16xf32> to vector<1xf32>
    %squeeze3A_162 = vector.extract %slice3A_161[0] : f32 from vector<1xf32>
    %max3A_163 = arith.maximumf %max3A_157, %squeeze3A_162 : f32
    %slice3A_164 = vector.extract_strided_slice %scan3A_78#0 {offsets = [15], sizes = [1], strides = [1]} : vector<16xf32> to vector<1xf32>
    %squeeze3A_165 = vector.extract %slice3A_164[0] : f32 from vector<1xf32>
    %min3A_166 = arith.minimumf %min3A_160, %squeeze3A_165 : f32
    %slice3A_167 = vector.extract_strided_slice %scan3A_78#1 {offsets = [15], sizes = [1], strides = [1]} : vector<16xf32> to vector<1xf32>
    %squeeze3A_168 = vector.extract %slice3A_167[0] : f32 from vector<1xf32>
    %max3A_169 = arith.maximumf %max3A_163, %squeeze3A_168 : f32
    %sub3A_170 = arith.subf %max3A_169, %min3A_166 : f32
    %eq3A_171 = arith.constant 0.000000e+00 : f32
    %eq3A_172 = arith.cmpf oeq, %sub3A_170, %eq3A_171 : f32
    %jit3A_173 = arith.constant 1.000000e+00 : f32
    %select_n3A_174 = arith.select %eq3A_172, %jit3A_173, %sub3A_170 : f32
    %broadcast_in_dim3A_175 = arith.constant 1.000000e+00 : f32
    %broadcast_in_dim3A_176 = vector.broadcast %broadcast_in_dim3A_175 : f32 to vector<16xf32>
    %swap3A_177 = arith.constant 0 : index
    %swap3A_178 = tpu.vector_load %arg10[%swap3A_177] {strides = array<i32>} : memref<128xf32, #tpu.memory_space<vmem>>, vector<16xf32>,
    tpu.vector_store %arg10[%swap3A_177], %broadcast_in_dim3A_176 {strides = array<i32>} : memref<128xf32, #tpu.memory_space<vmem>>, vector<16xf32>,
    %swap3A_179 = arith.constant 16 : index
    %swap3A_180 = tpu.vector_load %arg10[%swap3A_179] {strides = array<i32>} : memref<128xf32, #tpu.memory_space<vmem>>, vector<16xf32>,
    tpu.vector_store %arg10[%swap3A_179], %broadcast_in_dim3A_176 {strides = array<i32>} : memref<128xf32, #tpu.memory_space<vmem>>, vector<16xf32>,
    %swap3A_181 = arith.constant 32 : index
    %swap3A_182 = tpu.vector_load %arg10[%swap3A_181] {strides = array<i32>} : memref<128xf32, #tpu.memory_space<vmem>>, vector<16xf32>,
    tpu.vector_store %arg10[%swap3A_181], %broadcast_in_dim3A_176 {strides = array<i32>} : memref<128xf32, #tpu.memory_space<vmem>>, vector<16xf32>,
    %swap3A_183 = arith.constant 48 : index
    %swap3A_184 = tpu.vector_load %arg10[%swap3A_183] {strides = array<i32>} : memref<128xf32, #tpu.memory_space<vmem>>, vector<16xf32>,
    tpu.vector_store %arg10[%swap3A_183], %broadcast_in_dim3A_176 {strides = array<i32>} : memref<128xf32, #tpu.memory_space<vmem>>, vector<16xf32>,
    %swap3A_185 = arith.constant 64 : index
    %swap3A_186 = tpu.vector_load %arg10[%swap3A_185] {strides = array<i32>} : memref<128xf32, #tpu.memory_space<vmem>>, vector<16xf32>,
    tpu.vector_store %arg10[%swap3A_185], %broadcast_in_dim3A_176 {strides = array<i32>} : memref<128xf32, #tpu.memory_space<vmem>>, vector<16xf32>,
    %swap3A_187 = arith.constant 80 : index
    %swap3A_188 = tpu.vector_load %arg10[%swap3A_187] {strides = array<i32>} : memref<128xf32, #tpu.memory_space<vmem>>, vector<16xf32>,
    tpu.vector_store %arg10[%swap3A_187], %broadcast_in_dim3A_176 {strides = array<i32>} : memref<128xf32, #tpu.memory_space<vmem>>, vector<16xf32>,
    %swap3A_189 = arith.constant 96 : index
    %swap3A_190 = tpu.vector_load %arg10[%swap3A_189] {strides = array<i32>} : memref<128xf32, #tpu.memory_space<vmem>>, vector<16xf32>,
    tpu.vector_store %arg10[%swap3A_189], %broadcast_in_dim3A_176 {strides = array<i32>} : memref<128xf32, #tpu.memory_space<vmem>>, vector<16xf32>,
    %swap3A_191 = arith.constant 112 : index
    %swap3A_192 = tpu.vector_load %arg10[%swap3A_191] {strides = array<i32>} : memref<128xf32, #tpu.memory_space<vmem>>, vector<16xf32>,
    tpu.vector_store %arg10[%swap3A_191], %broadcast_in_dim3A_176 {strides = array<i32>} : memref<128xf32, #tpu.memory_space<vmem>>, vector<16xf32>,
    %scan3A_193 = arith.constant 0 : i32
    %scan3A_194 = arith.constant 0 : i32
    %scan3A_195 = arith.constant 8 : i32
    %scan3A_196 = arith.addi %scan3A_194, %scan3A_195 : i32
    %scan3A_197 = arith.constant 1 : i32
    scf.for %scan3A_234 = %scan3A_194 to %scan3A_196 step %scan3A_197  : i32 {
      %get3A = arith.index_cast %scan3A_234 : i32 to index
      %get3A_235 = arith.constant 0 : index
      %get3A_236 = tpu.vector_load %arg9[%get3A, %get3A_235] {strides = array<i32>} : memref<8x128xi32, #tpu.memory_space<vmem>>, vector<16xi32>,
      %convert_element_type3A_237 = arith.sitofp %get3A_236 : vector<16xi32> to vector<16xf32>
      %sub3A_238 = vector.broadcast %min3A_166 : f32 to vector<16xf32>
      %sub3A_239 = arith.subf %convert_element_type3A_237, %sub3A_238 : vector<16xf32>
      %div3A_240 = vector.broadcast %select_n3A_174 : f32 to vector<16xf32>
      %div3A_241 = arith.divf %sub3A_239, %div3A_240 : vector<16xf32>
      %mul3A_242 = arith.constant 1.000000e+03 : f32
      %mul3A_243 = vector.broadcast %mul3A_242 : f32 to vector<16xf32>
      %mul3A_244 = arith.mulf %div3A_241, %mul3A_243 : vector<16xf32>
      %convert_element_type3A_245 = arith.fptosi %mul3A_244 : vector<16xf32> to vector<16xi32>
      %jit3A_246 = arith.constant 0 : i32
      %jit3A_247 = arith.constant 999 : i32
      %max3A_248 = vector.broadcast %jit3A_246 : i32 to vector<16xi32>
      %max3A_249 = arith.maxsi %max3A_248, %convert_element_type3A_245 : vector<16xi32>
      %min3A_250 = vector.broadcast %jit3A_247 : i32 to vector<16xi32>
      %min3A_251 = arith.minsi %min3A_250, %max3A_249 : vector<16xi32>
      %swap3A_252 = arith.index_cast %scan3A_234 : i32 to index
      %swap3A_253 = arith.constant 0 : index
      %swap3A_254 = tpu.vector_load %arg9[%swap3A_252, %swap3A_253] {strides = array<i32>} : memref<8x128xi32, #tpu.memory_space<vmem>>, vector<16xi32>,
      tpu.vector_store %arg9[%swap3A_252, %swap3A_253], %min3A_251 {strides = array<i32>} : memref<8x128xi32, #tpu.memory_space<vmem>>, vector<16xi32>,
      %get3A_255 = arith.index_cast %scan3A_234 : i32 to index
      %get3A_256 = arith.constant 16 : index
      %get3A_257 = tpu.vector_load %arg9[%get3A_255, %get3A_256] {strides = array<i32>} : memref<8x128xi32, #tpu.memory_space<vmem>>, vector<16xi32>,
      %convert_element_type3A_258 = arith.sitofp %get3A_257 : vector<16xi32> to vector<16xf32>
      %sub3A_259 = vector.broadcast %min3A_166 : f32 to vector<16xf32>
      %sub3A_260 = arith.subf %convert_element_type3A_258, %sub3A_259 : vector<16xf32>
      %div3A_261 = vector.broadcast %select_n3A_174 : f32 to vector<16xf32>
      %div3A_262 = arith.divf %sub3A_260, %div3A_261 : vector<16xf32>
      %mul3A_263 = arith.constant 1.000000e+03 : f32
      %mul3A_264 = vector.broadcast %mul3A_263 : f32 to vector<16xf32>
      %mul3A_265 = arith.mulf %div3A_262, %mul3A_264 : vector<16xf32>
      %convert_element_type3A_266 = arith.fptosi %mul3A_265 : vector<16xf32> to vector<16xi32>
      %jit3A_267 = arith.constant 0 : i32
      %jit3A_268 = arith.constant 999 : i32
      %max3A_269 = vector.broadcast %jit3A_267 : i32 to vector<16xi32>
      %max3A_270 = arith.maxsi %max3A_269, %convert_element_type3A_266 : vector<16xi32>
      %min3A_271 = vector.broadcast %jit3A_268 : i32 to vector<16xi32>
      %min3A_272 = arith.minsi %min3A_271, %max3A_270 : vector<16xi32>
      %swap3A_273 = arith.index_cast %scan3A_234 : i32 to index
      %swap3A_274 = arith.constant 16 : index
      %swap3A_275 = tpu.vector_load %arg9[%swap3A_273, %swap3A_274] {strides = array<i32>} : memref<8x128xi32, #tpu.memory_space<vmem>>, vector<16xi32>,
      tpu.vector_store %arg9[%swap3A_273, %swap3A_274], %min3A_272 {strides = array<i32>} : memref<8x128xi32, #tpu.memory_space<vmem>>, vector<16xi32>,
      %get3A_276 = arith.index_cast %scan3A_234 : i32 to index
      %get3A_277 = arith.constant 32 : index
      %get3A_278 = tpu.vector_load %arg9[%get3A_276, %get3A_277] {strides = array<i32>} : memref<8x128xi32, #tpu.memory_space<vmem>>, vector<16xi32>,
      %convert_element_type3A_279 = arith.sitofp %get3A_278 : vector<16xi32> to vector<16xf32>
      %sub3A_280 = vector.broadcast %min3A_166 : f32 to vector<16xf32>
      %sub3A_281 = arith.subf %convert_element_type3A_279, %sub3A_280 : vector<16xf32>
      %div3A_282 = vector.broadcast %select_n3A_174 : f32 to vector<16xf32>
      %div3A_283 = arith.divf %sub3A_281, %div3A_282 : vector<16xf32>
      %mul3A_284 = arith.constant 1.000000e+03 : f32
      %mul3A_285 = vector.broadcast %mul3A_284 : f32 to vector<16xf32>
      %mul3A_286 = arith.mulf %div3A_283, %mul3A_285 : vector<16xf32>
      %convert_element_type3A_287 = arith.fptosi %mul3A_286 : vector<16xf32> to vector<16xi32>
      %jit3A_288 = arith.constant 0 : i32
      %jit3A_289 = arith.constant 999 : i32
      %max3A_290 = vector.broadcast %jit3A_288 : i32 to vector<16xi32>
      %max3A_291 = arith.maxsi %max3A_290, %convert_element_type3A_287 : vector<16xi32>
      %min3A_292 = vector.broadcast %jit3A_289 : i32 to vector<16xi32>
      %min3A_293 = arith.minsi %min3A_292, %max3A_291 : vector<16xi32>
      %swap3A_294 = arith.index_cast %scan3A_234 : i32 to index
      %swap3A_295 = arith.constant 32 : index
      %swap3A_296 = tpu.vector_load %arg9[%swap3A_294, %swap3A_295] {strides = array<i32>} : memref<8x128xi32, #tpu.memory_space<vmem>>, vector<16xi32>,
      tpu.vector_store %arg9[%swap3A_294, %swap3A_295], %min3A_293 {strides = array<i32>} : memref<8x128xi32, #tpu.memory_space<vmem>>, vector<16xi32>,
      %get3A_297 = arith.index_cast %scan3A_234 : i32 to index
      %get3A_298 = arith.constant 48 : index
      %get3A_299 = tpu.vector_load %arg9[%get3A_297, %get3A_298] {strides = array<i32>} : memref<8x128xi32, #tpu.memory_space<vmem>>, vector<16xi32>,
      %convert_element_type3A_300 = arith.sitofp %get3A_299 : vector<16xi32> to vector<16xf32>
      %sub3A_301 = vector.broadcast %min3A_166 : f32 to vector<16xf32>
      %sub3A_302 = arith.subf %convert_element_type3A_300, %sub3A_301 : vector<16xf32>
      %div3A_303 = vector.broadcast %select_n3A_174 : f32 to vector<16xf32>
      %div3A_304 = arith.divf %sub3A_302, %div3A_303 : vector<16xf32>
      %mul3A_305 = arith.constant 1.000000e+03 : f32
      %mul3A_306 = vector.broadcast %mul3A_305 : f32 to vector<16xf32>
      %mul3A_307 = arith.mulf %div3A_304, %mul3A_306 : vector<16xf32>
      %convert_element_type3A_308 = arith.fptosi %mul3A_307 : vector<16xf32> to vector<16xi32>
      %jit3A_309 = arith.constant 0 : i32
      %jit3A_310 = arith.constant 999 : i32
      %max3A_311 = vector.broadcast %jit3A_309 : i32 to vector<16xi32>
      %max3A_312 = arith.maxsi %max3A_311, %convert_element_type3A_308 : vector<16xi32>
      %min3A_313 = vector.broadcast %jit3A_310 : i32 to vector<16xi32>
      %min3A_314 = arith.minsi %min3A_313, %max3A_312 : vector<16xi32>
      %swap3A_315 = arith.index_cast %scan3A_234 : i32 to index
      %swap3A_316 = arith.constant 48 : index
      %swap3A_317 = tpu.vector_load %arg9[%swap3A_315, %swap3A_316] {strides = array<i32>} : memref<8x128xi32, #tpu.memory_space<vmem>>, vector<16xi32>,
      tpu.vector_store %arg9[%swap3A_315, %swap3A_316], %min3A_314 {strides = array<i32>} : memref<8x128xi32, #tpu.memory_space<vmem>>, vector<16xi32>,
      %get3A_318 = arith.index_cast %scan3A_234 : i32 to index
      %get3A_319 = arith.constant 64 : index
      %get3A_320 = tpu.vector_load %arg9[%get3A_318, %get3A_319] {strides = array<i32>} : memref<8x128xi32, #tpu.memory_space<vmem>>, vector<16xi32>,
      %convert_element_type3A_321 = arith.sitofp %get3A_320 : vector<16xi32> to vector<16xf32>
      %sub3A_322 = vector.broadcast %min3A_166 : f32 to vector<16xf32>
      %sub3A_323 = arith.subf %convert_element_type3A_321, %sub3A_322 : vector<16xf32>
      %div3A_324 = vector.broadcast %select_n3A_174 : f32 to vector<16xf32>
      %div3A_325 = arith.divf %sub3A_323, %div3A_324 : vector<16xf32>
      %mul3A_326 = arith.constant 1.000000e+03 : f32
      %mul3A_327 = vector.broadcast %mul3A_326 : f32 to vector<16xf32>
      %mul3A_328 = arith.mulf %div3A_325, %mul3A_327 : vector<16xf32>
      %convert_element_type3A_329 = arith.fptosi %mul3A_328 : vector<16xf32> to vector<16xi32>
      %jit3A_330 = arith.constant 0 : i32
      %jit3A_331 = arith.constant 999 : i32
      %max3A_332 = vector.broadcast %jit3A_330 : i32 to vector<16xi32>
      %max3A_333 = arith.maxsi %max3A_332, %convert_element_type3A_329 : vector<16xi32>
      %min3A_334 = vector.broadcast %jit3A_331 : i32 to vector<16xi32>
      %min3A_335 = arith.minsi %min3A_334, %max3A_333 : vector<16xi32>
      %swap3A_336 = arith.index_cast %scan3A_234 : i32 to index
      %swap3A_337 = arith.constant 64 : index
      %swap3A_338 = tpu.vector_load %arg9[%swap3A_336, %swap3A_337] {strides = array<i32>} : memref<8x128xi32, #tpu.memory_space<vmem>>, vector<16xi32>,
      tpu.vector_store %arg9[%swap3A_336, %swap3A_337], %min3A_335 {strides = array<i32>} : memref<8x128xi32, #tpu.memory_space<vmem>>, vector<16xi32>,
      %get3A_339 = arith.index_cast %scan3A_234 : i32 to index
      %get3A_340 = arith.constant 80 : index
      %get3A_341 = tpu.vector_load %arg9[%get3A_339, %get3A_340] {strides = array<i32>} : memref<8x128xi32, #tpu.memory_space<vmem>>, vector<16xi32>,
      %convert_element_type3A_342 = arith.sitofp %get3A_341 : vector<16xi32> to vector<16xf32>
      %sub3A_343 = vector.broadcast %min3A_166 : f32 to vector<16xf32>
      %sub3A_344 = arith.subf %convert_element_type3A_342, %sub3A_343 : vector<16xf32>
      %div3A_345 = vector.broadcast %select_n3A_174 : f32 to vector<16xf32>
      %div3A_346 = arith.divf %sub3A_344, %div3A_345 : vector<16xf32>
      %mul3A_347 = arith.constant 1.000000e+03 : f32
      %mul3A_348 = vector.broadcast %mul3A_347 : f32 to vector<16xf32>
      %mul3A_349 = arith.mulf %div3A_346, %mul3A_348 : vector<16xf32>
      %convert_element_type3A_350 = arith.fptosi %mul3A_349 : vector<16xf32> to vector<16xi32>
      %jit3A_351 = arith.constant 0 : i32
      %jit3A_352 = arith.constant 999 : i32
      %max3A_353 = vector.broadcast %jit3A_351 : i32 to vector<16xi32>
      %max3A_354 = arith.maxsi %max3A_353, %convert_element_type3A_350 : vector<16xi32>
      %min3A_355 = vector.broadcast %jit3A_352 : i32 to vector<16xi32>
      %min3A_356 = arith.minsi %min3A_355, %max3A_354 : vector<16xi32>
      %swap3A_357 = arith.index_cast %scan3A_234 : i32 to index
      %swap3A_358 = arith.constant 80 : index
      %swap3A_359 = tpu.vector_load %arg9[%swap3A_357, %swap3A_358] {strides = array<i32>} : memref<8x128xi32, #tpu.memory_space<vmem>>, vector<16xi32>,
      tpu.vector_store %arg9[%swap3A_357, %swap3A_358], %min3A_356 {strides = array<i32>} : memref<8x128xi32, #tpu.memory_space<vmem>>, vector<16xi32>,
      %get3A_360 = arith.index_cast %scan3A_234 : i32 to index
      %get3A_361 = arith.constant 96 : index
      %get3A_362 = tpu.vector_load %arg9[%get3A_360, %get3A_361] {strides = array<i32>} : memref<8x128xi32, #tpu.memory_space<vmem>>, vector<16xi32>,
      %convert_element_type3A_363 = arith.sitofp %get3A_362 : vector<16xi32> to vector<16xf32>
      %sub3A_364 = vector.broadcast %min3A_166 : f32 to vector<16xf32>
      %sub3A_365 = arith.subf %convert_element_type3A_363, %sub3A_364 : vector<16xf32>
      %div3A_366 = vector.broadcast %select_n3A_174 : f32 to vector<16xf32>
      %div3A_367 = arith.divf %sub3A_365, %div3A_366 : vector<16xf32>
      %mul3A_368 = arith.constant 1.000000e+03 : f32
      %mul3A_369 = vector.broadcast %mul3A_368 : f32 to vector<16xf32>
      %mul3A_370 = arith.mulf %div3A_367, %mul3A_369 : vector<16xf32>
      %convert_element_type3A_371 = arith.fptosi %mul3A_370 : vector<16xf32> to vector<16xi32>
      %jit3A_372 = arith.constant 0 : i32
      %jit3A_373 = arith.constant 999 : i32
      %max3A_374 = vector.broadcast %jit3A_372 : i32 to vector<16xi32>
      %max3A_375 = arith.maxsi %max3A_374, %convert_element_type3A_371 : vector<16xi32>
      %min3A_376 = vector.broadcast %jit3A_373 : i32 to vector<16xi32>
      %min3A_377 = arith.minsi %min3A_376, %max3A_375 : vector<16xi32>
      %swap3A_378 = arith.index_cast %scan3A_234 : i32 to index
      %swap3A_379 = arith.constant 96 : index
      %swap3A_380 = tpu.vector_load %arg9[%swap3A_378, %swap3A_379] {strides = array<i32>} : memref<8x128xi32, #tpu.memory_space<vmem>>, vector<16xi32>,
      tpu.vector_store %arg9[%swap3A_378, %swap3A_379], %min3A_377 {strides = array<i32>} : memref<8x128xi32, #tpu.memory_space<vmem>>, vector<16xi32>,
      %get3A_381 = arith.index_cast %scan3A_234 : i32 to index
      %get3A_382 = arith.constant 112 : index
      %get3A_383 = tpu.vector_load %arg9[%get3A_381, %get3A_382] {strides = array<i32>} : memref<8x128xi32, #tpu.memory_space<vmem>>, vector<16xi32>,
      %convert_element_type3A_384 = arith.sitofp %get3A_383 : vector<16xi32> to vector<16xf32>
      %sub3A_385 = vector.broadcast %min3A_166 : f32 to vector<16xf32>
      %sub3A_386 = arith.subf %convert_element_type3A_384, %sub3A_385 : vector<16xf32>
      %div3A_387 = vector.broadcast %select_n3A_174 : f32 to vector<16xf32>
      %div3A_388 = arith.divf %sub3A_386, %div3A_387 : vector<16xf32>
      %mul3A_389 = arith.constant 1.000000e+03 : f32
      %mul3A_390 = vector.broadcast %mul3A_389 : f32 to vector<16xf32>
      %mul3A_391 = arith.mulf %div3A_388, %mul3A_390 : vector<16xf32>
      %convert_element_type3A_392 = arith.fptosi %mul3A_391 : vector<16xf32> to vector<16xi32>
      %jit3A_393 = arith.constant 0 : i32
      %jit3A_394 = arith.constant 999 : i32
      %max3A_395 = vector.broadcast %jit3A_393 : i32 to vector<16xi32>
      %max3A_396 = arith.maxsi %max3A_395, %convert_element_type3A_392 : vector<16xi32>
      %min3A_397 = vector.broadcast %jit3A_394 : i32 to vector<16xi32>
      %min3A_398 = arith.minsi %min3A_397, %max3A_396 : vector<16xi32>
      %swap3A_399 = arith.index_cast %scan3A_234 : i32 to index
      %swap3A_400 = arith.constant 112 : index
      %swap3A_401 = tpu.vector_load %arg9[%swap3A_399, %swap3A_400] {strides = array<i32>} : memref<8x128xi32, #tpu.memory_space<vmem>>, vector<16xi32>,
      tpu.vector_store %arg9[%swap3A_399, %swap3A_400], %min3A_398 {strides = array<i32>} : memref<8x128xi32, #tpu.memory_space<vmem>>, vector<16xi32>,
    }
    %scan3A_198 = arith.constant 8 : i32
    %run_scoped3A = arith.constant 0 : i32
    "tpu.region"() ({
      %run_scoped3A_234 = tpu.sem_alloc : memref<!tpu.dma_semaphore, #tpu.memory_space<semaphore_mem>>
      %dma_start3A_235 = arith.constant 0 : i32
      %dma_start3A_236 = tpu.memref_slice %arg9[%run_scoped3A, %dma_start3A_235] : memref<8x128xi32, #tpu.memory_space<vmem>> -> memref<1x128xi32, #tpu.memory_space<vmem>>
      %dma_start3A_237 = tpu.memref_squeeze %dma_start3A_236 : memref<1x128xi32, #tpu.memory_space<vmem>> -> memref<128xi32, #tpu.memory_space<vmem>>
      %dma_start3A_238 = arith.constant 0 : i32
      %dma_start3A_239 = tpu.memref_slice %arg15[%dma_start3A_238] : memref<1024xf32, #tpu.memory_space<vmem_shared>> -> memref<1024xf32, #tpu.memory_space<vmem_shared>>
      tpu.enqueue_indirect_dma source(%arg10 : memref<128xf32, #tpu.memory_space<vmem>>) target(%dma_start3A_239 : memref<1024xf32, #tpu.memory_space<vmem_shared>>) offsets(%dma_start3A_237 : memref<128xi32, #tpu.memory_space<vmem>>) semaphore(%run_scoped3A_234 : memref<!tpu.dma_semaphore, #tpu.memory_space<semaphore_mem>>) {add = true}
      %dma_wait3A_240 = arith.constant 0 : i32
      %dma_wait3A_241 = tpu.memref_slice %arg9[%run_scoped3A, %dma_wait3A_240] : memref<8x128xi32, #tpu.memory_space<vmem>> -> memref<1x128xi32, #tpu.memory_space<vmem>>
      %dma_wait3A_242 = tpu.memref_squeeze %dma_wait3A_241 : memref<1x128xi32, #tpu.memory_space<vmem>> -> memref<128xi32, #tpu.memory_space<vmem>>
      %dma_wait3A_243 = arith.constant 0 : i32
      %dma_wait3A_244 = tpu.memref_slice %arg15[%dma_wait3A_243] : memref<1024xf32, #tpu.memory_space<vmem_shared>> -> memref<1024xf32, #tpu.memory_space<vmem_shared>>
      tpu.wait_indirect_dma semaphore(%run_scoped3A_234 : memref<!tpu.dma_semaphore, #tpu.memory_space<semaphore_mem>>) src(%arg10 : memref<128xf32, #tpu.memory_space<vmem>>) dst(%dma_wait3A_244 : memref<1024xf32, #tpu.memory_space<vmem_shared>>)
      tpu.yield
    }) : () -> ()
    %run_scoped3A_199 = arith.constant 1 : i32
    "tpu.region"() ({
      %run_scoped3A_234 = tpu.sem_alloc : memref<!tpu.dma_semaphore, #tpu.memory_space<semaphore_mem>>
      %dma_start3A_235 = arith.constant 0 : i32
      %dma_start3A_236 = tpu.memref_slice %arg9[%run_scoped3A_199, %dma_start3A_235] : memref<8x128xi32, #tpu.memory_space<vmem>> -> memref<1x128xi32, #tpu.memory_space<vmem>>
      %dma_start3A_237 = tpu.memref_squeeze %dma_start3A_236 : memref<1x128xi32, #tpu.memory_space<vmem>> -> memref<128xi32, #tpu.memory_space<vmem>>
      %dma_start3A_238 = arith.constant 0 : i32
      %dma_start3A_239 = tpu.memref_slice %arg15[%dma_start3A_238] : memref<1024xf32, #tpu.memory_space<vmem_shared>> -> memref<1024xf32, #tpu.memory_space<vmem_shared>>
      tpu.enqueue_indirect_dma source(%arg10 : memref<128xf32, #tpu.memory_space<vmem>>) target(%dma_start3A_239 : memref<1024xf32, #tpu.memory_space<vmem_shared>>) offsets(%dma_start3A_237 : memref<128xi32, #tpu.memory_space<vmem>>) semaphore(%run_scoped3A_234 : memref<!tpu.dma_semaphore, #tpu.memory_space<semaphore_mem>>) {add = true}
      %dma_wait3A_240 = arith.constant 0 : i32
      %dma_wait3A_241 = tpu.memref_slice %arg9[%run_scoped3A_199, %dma_wait3A_240] : memref<8x128xi32, #tpu.memory_space<vmem>> -> memref<1x128xi32, #tpu.memory_space<vmem>>
      %dma_wait3A_242 = tpu.memref_squeeze %dma_wait3A_241 : memref<1x128xi32, #tpu.memory_space<vmem>> -> memref<128xi32, #tpu.memory_space<vmem>>
      %dma_wait3A_243 = arith.constant 0 : i32
      %dma_wait3A_244 = tpu.memref_slice %arg15[%dma_wait3A_243] : memref<1024xf32, #tpu.memory_space<vmem_shared>> -> memref<1024xf32, #tpu.memory_space<vmem_shared>>
      tpu.wait_indirect_dma semaphore(%run_scoped3A_234 : memref<!tpu.dma_semaphore, #tpu.memory_space<semaphore_mem>>) src(%arg10 : memref<128xf32, #tpu.memory_space<vmem>>) dst(%dma_wait3A_244 : memref<1024xf32, #tpu.memory_space<vmem_shared>>)
      tpu.yield
    }) : () -> ()
    %run_scoped3A_200 = arith.constant 2 : i32
    "tpu.region"() ({
      %run_scoped3A_234 = tpu.sem_alloc : memref<!tpu.dma_semaphore, #tpu.memory_space<semaphore_mem>>
      %dma_start3A_235 = arith.constant 0 : i32
      %dma_start3A_236 = tpu.memref_slice %arg9[%run_scoped3A_200, %dma_start3A_235] : memref<8x128xi32, #tpu.memory_space<vmem>> -> memref<1x128xi32, #tpu.memory_space<vmem>>
      %dma_start3A_237 = tpu.memref_squeeze %dma_start3A_236 : memref<1x128xi32, #tpu.memory_space<vmem>> -> memref<128xi32, #tpu.memory_space<vmem>>
      %dma_start3A_238 = arith.constant 0 : i32
      %dma_start3A_239 = tpu.memref_slice %arg15[%dma_start3A_238] : memref<1024xf32, #tpu.memory_space<vmem_shared>> -> memref<1024xf32, #tpu.memory_space<vmem_shared>>
      tpu.enqueue_indirect_dma source(%arg10 : memref<128xf32, #tpu.memory_space<vmem>>) target(%dma_start3A_239 : memref<1024xf32, #tpu.memory_space<vmem_shared>>) offsets(%dma_start3A_237 : memref<128xi32, #tpu.memory_space<vmem>>) semaphore(%run_scoped3A_234 : memref<!tpu.dma_semaphore, #tpu.memory_space<semaphore_mem>>) {add = true}
      %dma_wait3A_240 = arith.constant 0 : i32
      %dma_wait3A_241 = tpu.memref_slice %arg9[%run_scoped3A_200, %dma_wait3A_240] : memref<8x128xi32, #tpu.memory_space<vmem>> -> memref<1x128xi32, #tpu.memory_space<vmem>>
      %dma_wait3A_242 = tpu.memref_squeeze %dma_wait3A_241 : memref<1x128xi32, #tpu.memory_space<vmem>> -> memref<128xi32, #tpu.memory_space<vmem>>
      %dma_wait3A_243 = arith.constant 0 : i32
      %dma_wait3A_244 = tpu.memref_slice %arg15[%dma_wait3A_243] : memref<1024xf32, #tpu.memory_space<vmem_shared>> -> memref<1024xf32, #tpu.memory_space<vmem_shared>>
      tpu.wait_indirect_dma semaphore(%run_scoped3A_234 : memref<!tpu.dma_semaphore, #tpu.memory_space<semaphore_mem>>) src(%arg10 : memref<128xf32, #tpu.memory_space<vmem>>) dst(%dma_wait3A_244 : memref<1024xf32, #tpu.memory_space<vmem_shared>>)
      tpu.yield
    }) : () -> ()
    %run_scoped3A_201 = arith.constant 3 : i32
    "tpu.region"() ({
      %run_scoped3A_234 = tpu.sem_alloc : memref<!tpu.dma_semaphore, #tpu.memory_space<semaphore_mem>>
      %dma_start3A_235 = arith.constant 0 : i32
      %dma_start3A_236 = tpu.memref_slice %arg9[%run_scoped3A_201, %dma_start3A_235] : memref<8x128xi32, #tpu.memory_space<vmem>> -> memref<1x128xi32, #tpu.memory_space<vmem>>
      %dma_start3A_237 = tpu.memref_squeeze %dma_start3A_236 : memref<1x128xi32, #tpu.memory_space<vmem>> -> memref<128xi32, #tpu.memory_space<vmem>>
      %dma_start3A_238 = arith.constant 0 : i32
      %dma_start3A_239 = tpu.memref_slice %arg15[%dma_start3A_238] : memref<1024xf32, #tpu.memory_space<vmem_shared>> -> memref<1024xf32, #tpu.memory_space<vmem_shared>>
      tpu.enqueue_indirect_dma source(%arg10 : memref<128xf32, #tpu.memory_space<vmem>>) target(%dma_start3A_239 : memref<1024xf32, #tpu.memory_space<vmem_shared>>) offsets(%dma_start3A_237 : memref<128xi32, #tpu.memory_space<vmem>>) semaphore(%run_scoped3A_234 : memref<!tpu.dma_semaphore, #tpu.memory_space<semaphore_mem>>) {add = true}
      %dma_wait3A_240 = arith.constant 0 : i32
      %dma_wait3A_241 = tpu.memref_slice %arg9[%run_scoped3A_201, %dma_wait3A_240] : memref<8x128xi32, #tpu.memory_space<vmem>> -> memref<1x128xi32, #tpu.memory_space<vmem>>
      %dma_wait3A_242 = tpu.memref_squeeze %dma_wait3A_241 : memref<1x128xi32, #tpu.memory_space<vmem>> -> memref<128xi32, #tpu.memory_space<vmem>>
      %dma_wait3A_243 = arith.constant 0 : i32
      %dma_wait3A_244 = tpu.memref_slice %arg15[%dma_wait3A_243] : memref<1024xf32, #tpu.memory_space<vmem_shared>> -> memref<1024xf32, #tpu.memory_space<vmem_shared>>
      tpu.wait_indirect_dma semaphore(%run_scoped3A_234 : memref<!tpu.dma_semaphore, #tpu.memory_space<semaphore_mem>>) src(%arg10 : memref<128xf32, #tpu.memory_space<vmem>>) dst(%dma_wait3A_244 : memref<1024xf32, #tpu.memory_space<vmem_shared>>)
      tpu.yield
    }) : () -> ()
    %run_scoped3A_202 = arith.constant 4 : i32
    "tpu.region"() ({
      %run_scoped3A_234 = tpu.sem_alloc : memref<!tpu.dma_semaphore, #tpu.memory_space<semaphore_mem>>
      %dma_start3A_235 = arith.constant 0 : i32
      %dma_start3A_236 = tpu.memref_slice %arg9[%run_scoped3A_202, %dma_start3A_235] : memref<8x128xi32, #tpu.memory_space<vmem>> -> memref<1x128xi32, #tpu.memory_space<vmem>>
      %dma_start3A_237 = tpu.memref_squeeze %dma_start3A_236 : memref<1x128xi32, #tpu.memory_space<vmem>> -> memref<128xi32, #tpu.memory_space<vmem>>
      %dma_start3A_238 = arith.constant 0 : i32
      %dma_start3A_239 = tpu.memref_slice %arg15[%dma_start3A_238] : memref<1024xf32, #tpu.memory_space<vmem_shared>> -> memref<1024xf32, #tpu.memory_space<vmem_shared>>
      tpu.enqueue_indirect_dma source(%arg10 : memref<128xf32, #tpu.memory_space<vmem>>) target(%dma_start3A_239 : memref<1024xf32, #tpu.memory_space<vmem_shared>>) offsets(%dma_start3A_237 : memref<128xi32, #tpu.memory_space<vmem>>) semaphore(%run_scoped3A_234 : memref<!tpu.dma_semaphore, #tpu.memory_space<semaphore_mem>>) {add = true}
      %dma_wait3A_240 = arith.constant 0 : i32
      %dma_wait3A_241 = tpu.memref_slice %arg9[%run_scoped3A_202, %dma_wait3A_240] : memref<8x128xi32, #tpu.memory_space<vmem>> -> memref<1x128xi32, #tpu.memory_space<vmem>>
      %dma_wait3A_242 = tpu.memref_squeeze %dma_wait3A_241 : memref<1x128xi32, #tpu.memory_space<vmem>> -> memref<128xi32, #tpu.memory_space<vmem>>
      %dma_wait3A_243 = arith.constant 0 : i32
      %dma_wait3A_244 = tpu.memref_slice %arg15[%dma_wait3A_243] : memref<1024xf32, #tpu.memory_space<vmem_shared>> -> memref<1024xf32, #tpu.memory_space<vmem_shared>>
      tpu.wait_indirect_dma semaphore(%run_scoped3A_234 : memref<!tpu.dma_semaphore, #tpu.memory_space<semaphore_mem>>) src(%arg10 : memref<128xf32, #tpu.memory_space<vmem>>) dst(%dma_wait3A_244 : memref<1024xf32, #tpu.memory_space<vmem_shared>>)
      tpu.yield
    }) : () -> ()
    %run_scoped3A_203 = arith.constant 5 : i32
    "tpu.region"() ({
      %run_scoped3A_234 = tpu.sem_alloc : memref<!tpu.dma_semaphore, #tpu.memory_space<semaphore_mem>>
      %dma_start3A_235 = arith.constant 0 : i32
      %dma_start3A_236 = tpu.memref_slice %arg9[%run_scoped3A_203, %dma_start3A_235] : memref<8x128xi32, #tpu.memory_space<vmem>> -> memref<1x128xi32, #tpu.memory_space<vmem>>
      %dma_start3A_237 = tpu.memref_squeeze %dma_start3A_236 : memref<1x128xi32, #tpu.memory_space<vmem>> -> memref<128xi32, #tpu.memory_space<vmem>>
      %dma_start3A_238 = arith.constant 0 : i32
      %dma_start3A_239 = tpu.memref_slice %arg15[%dma_start3A_238] : memref<1024xf32, #tpu.memory_space<vmem_shared>> -> memref<1024xf32, #tpu.memory_space<vmem_shared>>
      tpu.enqueue_indirect_dma source(%arg10 : memref<128xf32, #tpu.memory_space<vmem>>) target(%dma_start3A_239 : memref<1024xf32, #tpu.memory_space<vmem_shared>>) offsets(%dma_start3A_237 : memref<128xi32, #tpu.memory_space<vmem>>) semaphore(%run_scoped3A_234 : memref<!tpu.dma_semaphore, #tpu.memory_space<semaphore_mem>>) {add = true}
      %dma_wait3A_240 = arith.constant 0 : i32
      %dma_wait3A_241 = tpu.memref_slice %arg9[%run_scoped3A_203, %dma_wait3A_240] : memref<8x128xi32, #tpu.memory_space<vmem>> -> memref<1x128xi32, #tpu.memory_space<vmem>>
      %dma_wait3A_242 = tpu.memref_squeeze %dma_wait3A_241 : memref<1x128xi32, #tpu.memory_space<vmem>> -> memref<128xi32, #tpu.memory_space<vmem>>
      %dma_wait3A_243 = arith.constant 0 : i32
      %dma_wait3A_244 = tpu.memref_slice %arg15[%dma_wait3A_243] : memref<1024xf32, #tpu.memory_space<vmem_shared>> -> memref<1024xf32, #tpu.memory_space<vmem_shared>>
      tpu.wait_indirect_dma semaphore(%run_scoped3A_234 : memref<!tpu.dma_semaphore, #tpu.memory_space<semaphore_mem>>) src(%arg10 : memref<128xf32, #tpu.memory_space<vmem>>) dst(%dma_wait3A_244 : memref<1024xf32, #tpu.memory_space<vmem_shared>>)
      tpu.yield
    }) : () -> ()
    %run_scoped3A_204 = arith.constant 6 : i32
    "tpu.region"() ({
      %run_scoped3A_234 = tpu.sem_alloc : memref<!tpu.dma_semaphore, #tpu.memory_space<semaphore_mem>>
      %dma_start3A_235 = arith.constant 0 : i32
      %dma_start3A_236 = tpu.memref_slice %arg9[%run_scoped3A_204, %dma_start3A_235] : memref<8x128xi32, #tpu.memory_space<vmem>> -> memref<1x128xi32, #tpu.memory_space<vmem>>
      %dma_start3A_237 = tpu.memref_squeeze %dma_start3A_236 : memref<1x128xi32, #tpu.memory_space<vmem>> -> memref<128xi32, #tpu.memory_space<vmem>>
      %dma_start3A_238 = arith.constant 0 : i32
      %dma_start3A_239 = tpu.memref_slice %arg15[%dma_start3A_238] : memref<1024xf32, #tpu.memory_space<vmem_shared>> -> memref<1024xf32, #tpu.memory_space<vmem_shared>>
      tpu.enqueue_indirect_dma source(%arg10 : memref<128xf32, #tpu.memory_space<vmem>>) target(%dma_start3A_239 : memref<1024xf32, #tpu.memory_space<vmem_shared>>) offsets(%dma_start3A_237 : memref<128xi32, #tpu.memory_space<vmem>>) semaphore(%run_scoped3A_234 : memref<!tpu.dma_semaphore, #tpu.memory_space<semaphore_mem>>) {add = true}
      %dma_wait3A_240 = arith.constant 0 : i32
      %dma_wait3A_241 = tpu.memref_slice %arg9[%run_scoped3A_204, %dma_wait3A_240] : memref<8x128xi32, #tpu.memory_space<vmem>> -> memref<1x128xi32, #tpu.memory_space<vmem>>
      %dma_wait3A_242 = tpu.memref_squeeze %dma_wait3A_241 : memref<1x128xi32, #tpu.memory_space<vmem>> -> memref<128xi32, #tpu.memory_space<vmem>>
      %dma_wait3A_243 = arith.constant 0 : i32
      %dma_wait3A_244 = tpu.memref_slice %arg15[%dma_wait3A_243] : memref<1024xf32, #tpu.memory_space<vmem_shared>> -> memref<1024xf32, #tpu.memory_space<vmem_shared>>
      tpu.wait_indirect_dma semaphore(%run_scoped3A_234 : memref<!tpu.dma_semaphore, #tpu.memory_space<semaphore_mem>>) src(%arg10 : memref<128xf32, #tpu.memory_space<vmem>>) dst(%dma_wait3A_244 : memref<1024xf32, #tpu.memory_space<vmem_shared>>)
      tpu.yield
    }) : () -> ()
    %run_scoped3A_205 = arith.constant 7 : i32
    "tpu.region"() ({
      %run_scoped3A_234 = tpu.sem_alloc : memref<!tpu.dma_semaphore, #tpu.memory_space<semaphore_mem>>
      %dma_start3A_235 = arith.constant 0 : i32
      %dma_start3A_236 = tpu.memref_slice %arg9[%run_scoped3A_205, %dma_start3A_235] : memref<8x128xi32, #tpu.memory_space<vmem>> -> memref<1x128xi32, #tpu.memory_space<vmem>>
      %dma_start3A_237 = tpu.memref_squeeze %dma_start3A_236 : memref<1x128xi32, #tpu.memory_space<vmem>> -> memref<128xi32, #tpu.memory_space<vmem>>
      %dma_start3A_238 = arith.constant 0 : i32
      %dma_start3A_239 = tpu.memref_slice %arg15[%dma_start3A_238] : memref<1024xf32, #tpu.memory_space<vmem_shared>> -> memref<1024xf32, #tpu.memory_space<vmem_shared>>
      tpu.enqueue_indirect_dma source(%arg10 : memref<128xf32, #tpu.memory_space<vmem>>) target(%dma_start3A_239 : memref<1024xf32, #tpu.memory_space<vmem_shared>>) offsets(%dma_start3A_237 : memref<128xi32, #tpu.memory_space<vmem>>) semaphore(%run_scoped3A_234 : memref<!tpu.dma_semaphore, #tpu.memory_space<semaphore_mem>>) {add = true}
      %dma_wait3A_240 = arith.constant 0 : i32
      %dma_wait3A_241 = tpu.memref_slice %arg9[%run_scoped3A_205, %dma_wait3A_240] : memref<8x128xi32, #tpu.memory_space<vmem>> -> memref<1x128xi32, #tpu.memory_space<vmem>>
      %dma_wait3A_242 = tpu.memref_squeeze %dma_wait3A_241 : memref<1x128xi32, #tpu.memory_space<vmem>> -> memref<128xi32, #tpu.memory_space<vmem>>
      %dma_wait3A_243 = arith.constant 0 : i32
      %dma_wait3A_244 = tpu.memref_slice %arg15[%dma_wait3A_243] : memref<1024xf32, #tpu.memory_space<vmem_shared>> -> memref<1024xf32, #tpu.memory_space<vmem_shared>>
      tpu.wait_indirect_dma semaphore(%run_scoped3A_234 : memref<!tpu.dma_semaphore, #tpu.memory_space<semaphore_mem>>) src(%arg10 : memref<128xf32, #tpu.memory_space<vmem>>) dst(%dma_wait3A_244 : memref<1024xf32, #tpu.memory_space<vmem_shared>>)
      tpu.yield
    }) : () -> ()
    %barrier3A_206 = arith.constant 0 : index
    tpu.barrier barrier_id(%barrier3A_206)
    "tpu.region"() ({
      %run_scoped3A_234 = tpu.sem_alloc : memref<!tpu.dma_semaphore, #tpu.memory_space<semaphore_mem>>
      tpu.enqueue_dma source(%arg15 : memref<1024xf32, #tpu.memory_space<vmem_shared>>) target(%arg11 : memref<1024xf32, #tpu.memory_space<vmem>>) target_semaphore(%run_scoped3A_234 : memref<!tpu.dma_semaphore, #tpu.memory_space<semaphore_mem>>)
      tpu.wait_dma2 semaphore(%run_scoped3A_234 : memref<!tpu.dma_semaphore, #tpu.memory_space<semaphore_mem>>) src(%arg15 : memref<1024xf32, #tpu.memory_space<vmem_shared>>) dst(%arg11 : memref<1024xf32, #tpu.memory_space<vmem>>)
      tpu.yield
    }) : () -> ()
    %dma_wait3A = arith.constant 0 : i32
    %dma_wait3A_207 = tpu.memref_slice %arg3[%mul3A_45, %dma_wait3A] : memref<128x128xi32, #tpu.memory_space<hbm>> -> memref<16x128xi32, #tpu.memory_space<hbm>>
    %dma_wait3A_208 = arith.constant 0 : i32
    %dma_wait3A_209 = tpu.memref_slice %arg3[%mul3A_45, %dma_wait3A_208] : memref<128x128xi32, #tpu.memory_space<hbm>> -> memref<16x128xi32, #tpu.memory_space<hbm>>
    tpu.wait_dma2 semaphore(%arg19 : memref<!tpu.dma_semaphore, #tpu.memory_space<semaphore_mem>>) src(%dma_wait3A_209 : memref<16x128xi32, #tpu.memory_space<hbm>>) dst(%arg8 : memref<16x128xi32, #tpu.memory_space<vmem>>)
    %scan3A_210 = arith.constant 0 : i32
    %scan3A_211 = arith.constant 0 : i32
    %scan3A_212 = arith.constant 16 : i32
    %scan3A_213 = arith.addi %scan3A_211, %scan3A_212 : i32
    %scan3A_214 = arith.constant 1 : i32
    scf.for %scan3A_234 = %scan3A_211 to %scan3A_213 step %scan3A_214  : i32 {
      %get3A = arith.index_cast %scan3A_234 : i32 to index
      %get3A_235 = arith.constant 0 : index
      %get3A_236 = tpu.vector_load %arg8[%get3A, %get3A_235] {strides = array<i32>} : memref<16x128xi32, #tpu.memory_space<vmem>>, vector<16xi32>,
      %gather3A = tpu.vector_load_idx %arg11[%get3A_236] : memref<1024xf32, #tpu.memory_space<vmem>>[vector<16xi32>], vector<16xf32>,
      %div3A_237 = arith.constant 1.000000e+00 : f32
      %div3A_238 = vector.broadcast %div3A_237 : f32 to vector<16xf32>
      %div3A_239 = arith.divf %div3A_238, %gather3A : vector<16xf32>
      %mul3A_240 = arith.constant 128 : i32
      %mul3A_241 = arith.muli %scan3A_234, %mul3A_240 : i32
      %add3A_242 = arith.constant 0 : i32
      %add3A_243 = arith.addi %mul3A_241, %add3A_242 : i32
      %swap3A_244 = arith.index_cast %add3A_243 : i32 to index
      %swap3A_245 = tpu.vector_load %arg12[%swap3A_244] {strides = array<i32>} : memref<2048xf32, #tpu.memory_space<vmem>>, vector<16xf32>,
      tpu.vector_store %arg12[%swap3A_244], %div3A_239 {strides = array<i32>} : memref<2048xf32, #tpu.memory_space<vmem>>, vector<16xf32>,
      %get3A_246 = arith.index_cast %scan3A_234 : i32 to index
      %get3A_247 = arith.constant 16 : index
      %get3A_248 = tpu.vector_load %arg8[%get3A_246, %get3A_247] {strides = array<i32>} : memref<16x128xi32, #tpu.memory_space<vmem>>, vector<16xi32>,
      %gather3A_249 = tpu.vector_load_idx %arg11[%get3A_248] : memref<1024xf32, #tpu.memory_space<vmem>>[vector<16xi32>], vector<16xf32>,
      %div3A_250 = arith.constant 1.000000e+00 : f32
      %div3A_251 = vector.broadcast %div3A_250 : f32 to vector<16xf32>
      %div3A_252 = arith.divf %div3A_251, %gather3A_249 : vector<16xf32>
      %mul3A_253 = arith.constant 128 : i32
      %mul3A_254 = arith.muli %scan3A_234, %mul3A_253 : i32
      %add3A_255 = arith.constant 16 : i32
      %add3A_256 = arith.addi %mul3A_254, %add3A_255 : i32
      %swap3A_257 = arith.index_cast %add3A_256 : i32 to index
      %swap3A_258 = tpu.vector_load %arg12[%swap3A_257] {strides = array<i32>} : memref<2048xf32, #tpu.memory_space<vmem>>, vector<16xf32>,
      tpu.vector_store %arg12[%swap3A_257], %div3A_252 {strides = array<i32>} : memref<2048xf32, #tpu.memory_space<vmem>>, vector<16xf32>,
      %get3A_259 = arith.index_cast %scan3A_234 : i32 to index
      %get3A_260 = arith.constant 32 : index
      %get3A_261 = tpu.vector_load %arg8[%get3A_259, %get3A_260] {strides = array<i32>} : memref<16x128xi32, #tpu.memory_space<vmem>>, vector<16xi32>,
      %gather3A_262 = tpu.vector_load_idx %arg11[%get3A_261] : memref<1024xf32, #tpu.memory_space<vmem>>[vector<16xi32>], vector<16xf32>,
      %div3A_263 = arith.constant 1.000000e+00 : f32
      %div3A_264 = vector.broadcast %div3A_263 : f32 to vector<16xf32>
      %div3A_265 = arith.divf %div3A_264, %gather3A_262 : vector<16xf32>
      %mul3A_266 = arith.constant 128 : i32
      %mul3A_267 = arith.muli %scan3A_234, %mul3A_266 : i32
      %add3A_268 = arith.constant 32 : i32
      %add3A_269 = arith.addi %mul3A_267, %add3A_268 : i32
      %swap3A_270 = arith.index_cast %add3A_269 : i32 to index
      %swap3A_271 = tpu.vector_load %arg12[%swap3A_270] {strides = array<i32>} : memref<2048xf32, #tpu.memory_space<vmem>>, vector<16xf32>,
      tpu.vector_store %arg12[%swap3A_270], %div3A_265 {strides = array<i32>} : memref<2048xf32, #tpu.memory_space<vmem>>, vector<16xf32>,
      %get3A_272 = arith.index_cast %scan3A_234 : i32 to index
      %get3A_273 = arith.constant 48 : index
      %get3A_274 = tpu.vector_load %arg8[%get3A_272, %get3A_273] {strides = array<i32>} : memref<16x128xi32, #tpu.memory_space<vmem>>, vector<16xi32>,
      %gather3A_275 = tpu.vector_load_idx %arg11[%get3A_274] : memref<1024xf32, #tpu.memory_space<vmem>>[vector<16xi32>], vector<16xf32>,
      %div3A_276 = arith.constant 1.000000e+00 : f32
      %div3A_277 = vector.broadcast %div3A_276 : f32 to vector<16xf32>
      %div3A_278 = arith.divf %div3A_277, %gather3A_275 : vector<16xf32>
      %mul3A_279 = arith.constant 128 : i32
      %mul3A_280 = arith.muli %scan3A_234, %mul3A_279 : i32
      %add3A_281 = arith.constant 48 : i32
      %add3A_282 = arith.addi %mul3A_280, %add3A_281 : i32
      %swap3A_283 = arith.index_cast %add3A_282 : i32 to index
      %swap3A_284 = tpu.vector_load %arg12[%swap3A_283] {strides = array<i32>} : memref<2048xf32, #tpu.memory_space<vmem>>, vector<16xf32>,
      tpu.vector_store %arg12[%swap3A_283], %div3A_278 {strides = array<i32>} : memref<2048xf32, #tpu.memory_space<vmem>>, vector<16xf32>,
      %get3A_285 = arith.index_cast %scan3A_234 : i32 to index
      %get3A_286 = arith.constant 64 : index
      %get3A_287 = tpu.vector_load %arg8[%get3A_285, %get3A_286] {strides = array<i32>} : memref<16x128xi32, #tpu.memory_space<vmem>>, vector<16xi32>,
      %gather3A_288 = tpu.vector_load_idx %arg11[%get3A_287] : memref<1024xf32, #tpu.memory_space<vmem>>[vector<16xi32>], vector<16xf32>,
      %div3A_289 = arith.constant 1.000000e+00 : f32
      %div3A_290 = vector.broadcast %div3A_289 : f32 to vector<16xf32>
      %div3A_291 = arith.divf %div3A_290, %gather3A_288 : vector<16xf32>
      %mul3A_292 = arith.constant 128 : i32
      %mul3A_293 = arith.muli %scan3A_234, %mul3A_292 : i32
      %add3A_294 = arith.constant 64 : i32
      %add3A_295 = arith.addi %mul3A_293, %add3A_294 : i32
      %swap3A_296 = arith.index_cast %add3A_295 : i32 to index
      %swap3A_297 = tpu.vector_load %arg12[%swap3A_296] {strides = array<i32>} : memref<2048xf32, #tpu.memory_space<vmem>>, vector<16xf32>,
      tpu.vector_store %arg12[%swap3A_296], %div3A_291 {strides = array<i32>} : memref<2048xf32, #tpu.memory_space<vmem>>, vector<16xf32>,
      %get3A_298 = arith.index_cast %scan3A_234 : i32 to index
      %get3A_299 = arith.constant 80 : index
      %get3A_300 = tpu.vector_load %arg8[%get3A_298, %get3A_299] {strides = array<i32>} : memref<16x128xi32, #tpu.memory_space<vmem>>, vector<16xi32>,
      %gather3A_301 = tpu.vector_load_idx %arg11[%get3A_300] : memref<1024xf32, #tpu.memory_space<vmem>>[vector<16xi32>], vector<16xf32>,
      %div3A_302 = arith.constant 1.000000e+00 : f32
      %div3A_303 = vector.broadcast %div3A_302 : f32 to vector<16xf32>
      %div3A_304 = arith.divf %div3A_303, %gather3A_301 : vector<16xf32>
      %mul3A_305 = arith.constant 128 : i32
      %mul3A_306 = arith.muli %scan3A_234, %mul3A_305 : i32
      %add3A_307 = arith.constant 80 : i32
      %add3A_308 = arith.addi %mul3A_306, %add3A_307 : i32
      %swap3A_309 = arith.index_cast %add3A_308 : i32 to index
      %swap3A_310 = tpu.vector_load %arg12[%swap3A_309] {strides = array<i32>} : memref<2048xf32, #tpu.memory_space<vmem>>, vector<16xf32>,
      tpu.vector_store %arg12[%swap3A_309], %div3A_304 {strides = array<i32>} : memref<2048xf32, #tpu.memory_space<vmem>>, vector<16xf32>,
      %get3A_311 = arith.index_cast %scan3A_234 : i32 to index
      %get3A_312 = arith.constant 96 : index
      %get3A_313 = tpu.vector_load %arg8[%get3A_311, %get3A_312] {strides = array<i32>} : memref<16x128xi32, #tpu.memory_space<vmem>>, vector<16xi32>,
      %gather3A_314 = tpu.vector_load_idx %arg11[%get3A_313] : memref<1024xf32, #tpu.memory_space<vmem>>[vector<16xi32>], vector<16xf32>,
      %div3A_315 = arith.constant 1.000000e+00 : f32
      %div3A_316 = vector.broadcast %div3A_315 : f32 to vector<16xf32>
      %div3A_317 = arith.divf %div3A_316, %gather3A_314 : vector<16xf32>
      %mul3A_318 = arith.constant 128 : i32
      %mul3A_319 = arith.muli %scan3A_234, %mul3A_318 : i32
      %add3A_320 = arith.constant 96 : i32
      %add3A_321 = arith.addi %mul3A_319, %add3A_320 : i32
      %swap3A_322 = arith.index_cast %add3A_321 : i32 to index
      %swap3A_323 = tpu.vector_load %arg12[%swap3A_322] {strides = array<i32>} : memref<2048xf32, #tpu.memory_space<vmem>>, vector<16xf32>,
      tpu.vector_store %arg12[%swap3A_322], %div3A_317 {strides = array<i32>} : memref<2048xf32, #tpu.memory_space<vmem>>, vector<16xf32>,
      %get3A_324 = arith.index_cast %scan3A_234 : i32 to index
      %get3A_325 = arith.constant 112 : index
      %get3A_326 = tpu.vector_load %arg8[%get3A_324, %get3A_325] {strides = array<i32>} : memref<16x128xi32, #tpu.memory_space<vmem>>, vector<16xi32>,
      %gather3A_327 = tpu.vector_load_idx %arg11[%get3A_326] : memref<1024xf32, #tpu.memory_space<vmem>>[vector<16xi32>], vector<16xf32>,
      %div3A_328 = arith.constant 1.000000e+00 : f32
      %div3A_329 = vector.broadcast %div3A_328 : f32 to vector<16xf32>
      %div3A_330 = arith.divf %div3A_329, %gather3A_327 : vector<16xf32>
      %mul3A_331 = arith.constant 128 : i32
      %mul3A_332 = arith.muli %scan3A_234, %mul3A_331 : i32
      %add3A_333 = arith.constant 112 : i32
      %add3A_334 = arith.addi %mul3A_332, %add3A_333 : i32
      %swap3A_335 = arith.index_cast %add3A_334 : i32 to index
      %swap3A_336 = tpu.vector_load %arg12[%swap3A_335] {strides = array<i32>} : memref<2048xf32, #tpu.memory_space<vmem>>, vector<16xf32>,
      tpu.vector_store %arg12[%swap3A_335], %div3A_330 {strides = array<i32>} : memref<2048xf32, #tpu.memory_space<vmem>>, vector<16xf32>,
    }
    %scan3A_215 = arith.constant 16 : i32
    %dma_wait3A_216 = tpu.memref_slice %arg2[%mul3A_34, %mul3A_36] : memref<64x16384xf32, #tpu.memory_space<hbm>> -> memref<16x2048xf32, #tpu.memory_space<hbm>>
    %dma_wait3A_217 = tpu.memref_slice %arg2[%mul3A_34, %mul3A_36] : memref<64x16384xf32, #tpu.memory_space<hbm>> -> memref<16x2048xf32, #tpu.memory_space<hbm>>
    tpu.wait_dma2 semaphore(%arg17 : memref<!tpu.dma_semaphore, #tpu.memory_space<semaphore_mem>>) src(%dma_wait3A_217 : memref<16x2048xf32, #tpu.memory_space<hbm>>) dst(%arg6 : memref<16x2048xf32, #tpu.memory_space<vmem>>)
    %dma_wait3A_218 = arith.constant 0 : i32
    %dma_wait3A_219 = tpu.memref_slice %arg4[%mul3A_39, %dma_wait3A_218] : memref<64x1000xf32, #tpu.memory_space<hbm>> -> memref<16x1000xf32, #tpu.memory_space<hbm>>
    %dma_wait3A_220 = arith.constant 0 : i32
    %dma_wait3A_221 = tpu.memref_slice %arg4[%mul3A_39, %dma_wait3A_220] : memref<64x1000xf32, #tpu.memory_space<hbm>> -> memref<16x1000xf32, #tpu.memory_space<hbm>>
    tpu.wait_dma2 semaphore(%arg18 : memref<!tpu.dma_semaphore, #tpu.memory_space<semaphore_mem>>) src(%dma_wait3A_221 : memref<16x1000xf32, #tpu.memory_space<hbm>>) dst(%arg7 : memref<16x1000xf32, #tpu.memory_space<vmem>>)
    %broadcast_in_dim3A_222 = arith.constant 0.000000e+00 : f32
    %broadcast_in_dim3A_223 = vector.broadcast %broadcast_in_dim3A_222 : f32 to vector<16xf32>
    %scan3A_224 = arith.constant 0 : i32
    %scan3A_225 = arith.constant 128 : i32
    %scan3A_226 = arith.addi %scan3A_224, %scan3A_225 : i32
    %scan3A_227 = arith.constant 1 : i32
    %scan3A_228 = scf.for %scan3A_234 = %scan3A_224 to %scan3A_226 step %scan3A_227 iter_args(%scan3A_235 = %broadcast_in_dim3A_223) -> (vector<16xf32>)  : i32 {
      %jit3A_236 = arith.constant 8 : i32
      %div3A_237 = arith.divsi %scan3A_234, %jit3A_236 : i32
      %sign3A_238 = arith.constant 0 : i32
      %sign3A_239 = arith.cmpi sgt, %scan3A_234, %sign3A_238 : i32
      %sign3A_240 = arith.extui %sign3A_239 : i1 to i32
      %sign3A_241 = arith.constant 0 : i32
      %sign3A_242 = arith.cmpi slt, %scan3A_234, %sign3A_241 : i32
      %sign3A_243 = arith.extui %sign3A_242 : i1 to i32
      %sign3A_244 = arith.subi %sign3A_240, %sign3A_243 : i32
      %sign3A_245 = arith.constant 0 : i32
      %sign3A_246 = arith.cmpi sgt, %jit3A_236, %sign3A_245 : i32
      %sign3A_247 = arith.extui %sign3A_246 : i1 to i32
      %sign3A_248 = arith.constant 0 : i32
      %sign3A_249 = arith.cmpi slt, %jit3A_236, %sign3A_248 : i32
      %sign3A_250 = arith.extui %sign3A_249 : i1 to i32
      %sign3A_251 = arith.subi %sign3A_247, %sign3A_250 : i32
      %ne3A_252 = arith.cmpi ne, %sign3A_244, %sign3A_251 : i32
      %rem3A_253 = arith.remsi %scan3A_234, %jit3A_236 : i32
      %ne3A_254 = arith.constant 0 : i32
      %ne3A_255 = arith.cmpi ne, %rem3A_253, %ne3A_254 : i32
      %and3A_256 = arith.andi %ne3A_252, %ne3A_255 : i1
      %sub3A_257 = arith.constant 1 : i32
      %sub3A_258 = arith.subi %div3A_237, %sub3A_257 : i32
      %select_n3A_259 = arith.select %and3A_256, %sub3A_258, %div3A_237 : i32
      %jit3A_260 = arith.constant 8 : i32
      %eq3A_261 = arith.constant 0 : i32
      %eq3A_262 = arith.cmpi eq, %jit3A_260, %eq3A_261 : i32
      %jit3A_263 = arith.constant 1 : i32
      %select_n3A_264 = arith.select %eq3A_262, %jit3A_263, %jit3A_260 : i32
      %rem3A_265 = arith.remsi %scan3A_234, %select_n3A_264 : i32
      %ne3A_266 = arith.constant 0 : i32
      %ne3A_267 = arith.cmpi ne, %rem3A_265, %ne3A_266 : i32
      %lt3A_268 = arith.constant 0 : i32
      %lt3A_269 = arith.cmpi slt, %rem3A_265, %lt3A_268 : i32
      %lt3A_270 = arith.constant 0 : i32
      %lt3A_271 = arith.cmpi slt, %select_n3A_264, %lt3A_270 : i32
      %ne3A_272 = arith.xori %lt3A_269, %lt3A_271 : i1
      %and3A_273 = arith.andi %ne3A_272, %ne3A_267 : i1
      %add3A_274 = arith.addi %rem3A_265, %select_n3A_264 : i32
      %select_n3A_275 = arith.select %and3A_273, %add3A_274, %rem3A_265 : i32
      %mul3A_276 = arith.constant 16 : i32
      %mul3A_277 = arith.muli %select_n3A_275, %mul3A_276 : i32
      %get3A = arith.index_cast %select_n3A_259 : i32 to index
      %get3A_278 = arith.index_cast %mul3A_277 : i32 to index
      %get3A_279 = tpu.vector_load %arg8[%get3A, %get3A_278] {strides = array<i32>} : memref<16x128xi32, #tpu.memory_space<vmem>>, vector<16xi32>,
      %mul3A_280 = arith.constant 16 : i32
      %mul3A_281 = arith.muli %scan3A_234, %mul3A_280 : i32
      %get3A_282 = arith.index_cast %mul3A_281 : i32 to index
      %get3A_283 = tpu.vector_load %arg12[%get3A_282] {strides = array<i32>} : memref<2048xf32, #tpu.memory_space<vmem>>, vector<16xf32>,
      %mul3A_284 = arith.constant 16 : i32
      %mul3A_285 = arith.muli %scan3A_234, %mul3A_284 : i32
      %broadcast_in_dim3A_286 = arith.constant 0 : i32
      %broadcast_in_dim3A_287 = vector.broadcast %broadcast_in_dim3A_286 : i32 to vector<16xi32>
      %broadcast_in_dim3A_288 = arith.constant 0.000000e+00 : f32
      %broadcast_in_dim3A_289 = vector.broadcast %broadcast_in_dim3A_288 : f32 to vector<16xf32>
      %get3A_290 = arith.constant 0 : i32
      %get3A_291 = arith.index_cast %get3A_290 : i32 to index
      %get3A_292 = arith.index_cast %mul3A_285 : i32 to index
      %get3A_293 = tpu.vector_load %arg6[%get3A_291, %get3A_292] {strides = array<i32>} : memref<16x2048xf32, #tpu.memory_space<vmem>>, vector<16xf32>,
      %gather3A = tpu.vector_load_idx %arg7[%broadcast_in_dim3A_287, %get3A_279] : memref<16x1000xf32, #tpu.memory_space<vmem>>[vector<16xi32>, vector<16xi32>], vector<16xf32>,
      %sub3A_294 = arith.subf %get3A_293, %gather3A : vector<16xf32>
      %mul3A_295 = arith.mulf %sub3A_294, %sub3A_294 : vector<16xf32>
      %add3A_296 = arith.addf %broadcast_in_dim3A_289, %mul3A_295 : vector<16xf32>
      %add3A_297 = arith.constant 1 : i32
      %add3A_298 = vector.broadcast %add3A_297 : i32 to vector<16xi32>
      %add3A_299 = arith.addi %broadcast_in_dim3A_287, %add3A_298 : vector<16xi32>
      %get3A_300 = arith.constant 1 : i32
      %get3A_301 = arith.index_cast %get3A_300 : i32 to index
      %get3A_302 = arith.index_cast %mul3A_285 : i32 to index
      %get3A_303 = tpu.vector_load %arg6[%get3A_301, %get3A_302] {strides = array<i32>} : memref<16x2048xf32, #tpu.memory_space<vmem>>, vector<16xf32>,
      %gather3A_304 = tpu.vector_load_idx %arg7[%add3A_299, %get3A_279] : memref<16x1000xf32, #tpu.memory_space<vmem>>[vector<16xi32>, vector<16xi32>], vector<16xf32>,
      %sub3A_305 = arith.subf %get3A_303, %gather3A_304 : vector<16xf32>
      %mul3A_306 = arith.mulf %sub3A_305, %sub3A_305 : vector<16xf32>
      %add3A_307 = arith.addf %add3A_296, %mul3A_306 : vector<16xf32>
      %add3A_308 = arith.constant 1 : i32
      %add3A_309 = vector.broadcast %add3A_308 : i32 to vector<16xi32>
      %add3A_310 = arith.addi %add3A_299, %add3A_309 : vector<16xi32>
      %get3A_311 = arith.constant 2 : i32
      %get3A_312 = arith.index_cast %get3A_311 : i32 to index
      %get3A_313 = arith.index_cast %mul3A_285 : i32 to index
      %get3A_314 = tpu.vector_load %arg6[%get3A_312, %get3A_313] {strides = array<i32>} : memref<16x2048xf32, #tpu.memory_space<vmem>>, vector<16xf32>,
      %gather3A_315 = tpu.vector_load_idx %arg7[%add3A_310, %get3A_279] : memref<16x1000xf32, #tpu.memory_space<vmem>>[vector<16xi32>, vector<16xi32>], vector<16xf32>,
      %sub3A_316 = arith.subf %get3A_314, %gather3A_315 : vector<16xf32>
      %mul3A_317 = arith.mulf %sub3A_316, %sub3A_316 : vector<16xf32>
      %add3A_318 = arith.addf %add3A_307, %mul3A_317 : vector<16xf32>
      %add3A_319 = arith.constant 1 : i32
      %add3A_320 = vector.broadcast %add3A_319 : i32 to vector<16xi32>
      %add3A_321 = arith.addi %add3A_310, %add3A_320 : vector<16xi32>
      %get3A_322 = arith.constant 3 : i32
      %get3A_323 = arith.index_cast %get3A_322 : i32 to index
      %get3A_324 = arith.index_cast %mul3A_285 : i32 to index
      %get3A_325 = tpu.vector_load %arg6[%get3A_323, %get3A_324] {strides = array<i32>} : memref<16x2048xf32, #tpu.memory_space<vmem>>, vector<16xf32>,
      %gather3A_326 = tpu.vector_load_idx %arg7[%add3A_321, %get3A_279] : memref<16x1000xf32, #tpu.memory_space<vmem>>[vector<16xi32>, vector<16xi32>], vector<16xf32>,
      %sub3A_327 = arith.subf %get3A_325, %gather3A_326 : vector<16xf32>
      %mul3A_328 = arith.mulf %sub3A_327, %sub3A_327 : vector<16xf32>
      %add3A_329 = arith.addf %add3A_318, %mul3A_328 : vector<16xf32>
      %add3A_330 = arith.constant 1 : i32
      %add3A_331 = vector.broadcast %add3A_330 : i32 to vector<16xi32>
      %add3A_332 = arith.addi %add3A_321, %add3A_331 : vector<16xi32>
      %get3A_333 = arith.constant 4 : i32
      %get3A_334 = arith.index_cast %get3A_333 : i32 to index
      %get3A_335 = arith.index_cast %mul3A_285 : i32 to index
      %get3A_336 = tpu.vector_load %arg6[%get3A_334, %get3A_335] {strides = array<i32>} : memref<16x2048xf32, #tpu.memory_space<vmem>>, vector<16xf32>,
      %gather3A_337 = tpu.vector_load_idx %arg7[%add3A_332, %get3A_279] : memref<16x1000xf32, #tpu.memory_space<vmem>>[vector<16xi32>, vector<16xi32>], vector<16xf32>,
      %sub3A_338 = arith.subf %get3A_336, %gather3A_337 : vector<16xf32>
      %mul3A_339 = arith.mulf %sub3A_338, %sub3A_338 : vector<16xf32>
      %add3A_340 = arith.addf %add3A_329, %mul3A_339 : vector<16xf32>
      %add3A_341 = arith.constant 1 : i32
      %add3A_342 = vector.broadcast %add3A_341 : i32 to vector<16xi32>
      %add3A_343 = arith.addi %add3A_332, %add3A_342 : vector<16xi32>
      %get3A_344 = arith.constant 5 : i32
      %get3A_345 = arith.index_cast %get3A_344 : i32 to index
      %get3A_346 = arith.index_cast %mul3A_285 : i32 to index
      %get3A_347 = tpu.vector_load %arg6[%get3A_345, %get3A_346] {strides = array<i32>} : memref<16x2048xf32, #tpu.memory_space<vmem>>, vector<16xf32>,
      %gather3A_348 = tpu.vector_load_idx %arg7[%add3A_343, %get3A_279] : memref<16x1000xf32, #tpu.memory_space<vmem>>[vector<16xi32>, vector<16xi32>], vector<16xf32>,
      %sub3A_349 = arith.subf %get3A_347, %gather3A_348 : vector<16xf32>
      %mul3A_350 = arith.mulf %sub3A_349, %sub3A_349 : vector<16xf32>
      %add3A_351 = arith.addf %add3A_340, %mul3A_350 : vector<16xf32>
      %add3A_352 = arith.constant 1 : i32
      %add3A_353 = vector.broadcast %add3A_352 : i32 to vector<16xi32>
      %add3A_354 = arith.addi %add3A_343, %add3A_353 : vector<16xi32>
      %get3A_355 = arith.constant 6 : i32
      %get3A_356 = arith.index_cast %get3A_355 : i32 to index
      %get3A_357 = arith.index_cast %mul3A_285 : i32 to index
      %get3A_358 = tpu.vector_load %arg6[%get3A_356, %get3A_357] {strides = array<i32>} : memref<16x2048xf32, #tpu.memory_space<vmem>>, vector<16xf32>,
      %gather3A_359 = tpu.vector_load_idx %arg7[%add3A_354, %get3A_279] : memref<16x1000xf32, #tpu.memory_space<vmem>>[vector<16xi32>, vector<16xi32>], vector<16xf32>,
      %sub3A_360 = arith.subf %get3A_358, %gather3A_359 : vector<16xf32>
      %mul3A_361 = arith.mulf %sub3A_360, %sub3A_360 : vector<16xf32>
      %add3A_362 = arith.addf %add3A_351, %mul3A_361 : vector<16xf32>
      %add3A_363 = arith.constant 1 : i32
      %add3A_364 = vector.broadcast %add3A_363 : i32 to vector<16xi32>
      %add3A_365 = arith.addi %add3A_354, %add3A_364 : vector<16xi32>
      %get3A_366 = arith.constant 7 : i32
      %get3A_367 = arith.index_cast %get3A_366 : i32 to index
      %get3A_368 = arith.index_cast %mul3A_285 : i32 to index
      %get3A_369 = tpu.vector_load %arg6[%get3A_367, %get3A_368] {strides = array<i32>} : memref<16x2048xf32, #tpu.memory_space<vmem>>, vector<16xf32>,
      %gather3A_370 = tpu.vector_load_idx %arg7[%add3A_365, %get3A_279] : memref<16x1000xf32, #tpu.memory_space<vmem>>[vector<16xi32>, vector<16xi32>], vector<16xf32>,
      %sub3A_371 = arith.subf %get3A_369, %gather3A_370 : vector<16xf32>
      %mul3A_372 = arith.mulf %sub3A_371, %sub3A_371 : vector<16xf32>
      %add3A_373 = arith.addf %add3A_362, %mul3A_372 : vector<16xf32>
      %add3A_374 = arith.constant 1 : i32
      %add3A_375 = vector.broadcast %add3A_374 : i32 to vector<16xi32>
      %add3A_376 = arith.addi %add3A_365, %add3A_375 : vector<16xi32>
      %get3A_377 = arith.constant 8 : i32
      %get3A_378 = arith.index_cast %get3A_377 : i32 to index
      %get3A_379 = arith.index_cast %mul3A_285 : i32 to index
      %get3A_380 = tpu.vector_load %arg6[%get3A_378, %get3A_379] {strides = array<i32>} : memref<16x2048xf32, #tpu.memory_space<vmem>>, vector<16xf32>,
      %gather3A_381 = tpu.vector_load_idx %arg7[%add3A_376, %get3A_279] : memref<16x1000xf32, #tpu.memory_space<vmem>>[vector<16xi32>, vector<16xi32>], vector<16xf32>,
      %sub3A_382 = arith.subf %get3A_380, %gather3A_381 : vector<16xf32>
      %mul3A_383 = arith.mulf %sub3A_382, %sub3A_382 : vector<16xf32>
      %add3A_384 = arith.addf %add3A_373, %mul3A_383 : vector<16xf32>
      %add3A_385 = arith.constant 1 : i32
      %add3A_386 = vector.broadcast %add3A_385 : i32 to vector<16xi32>
      %add3A_387 = arith.addi %add3A_376, %add3A_386 : vector<16xi32>
      %get3A_388 = arith.constant 9 : i32
      %get3A_389 = arith.index_cast %get3A_388 : i32 to index
      %get3A_390 = arith.index_cast %mul3A_285 : i32 to index
      %get3A_391 = tpu.vector_load %arg6[%get3A_389, %get3A_390] {strides = array<i32>} : memref<16x2048xf32, #tpu.memory_space<vmem>>, vector<16xf32>,
      %gather3A_392 = tpu.vector_load_idx %arg7[%add3A_387, %get3A_279] : memref<16x1000xf32, #tpu.memory_space<vmem>>[vector<16xi32>, vector<16xi32>], vector<16xf32>,
      %sub3A_393 = arith.subf %get3A_391, %gather3A_392 : vector<16xf32>
      %mul3A_394 = arith.mulf %sub3A_393, %sub3A_393 : vector<16xf32>
      %add3A_395 = arith.addf %add3A_384, %mul3A_394 : vector<16xf32>
      %add3A_396 = arith.constant 1 : i32
      %add3A_397 = vector.broadcast %add3A_396 : i32 to vector<16xi32>
      %add3A_398 = arith.addi %add3A_387, %add3A_397 : vector<16xi32>
      %get3A_399 = arith.constant 10 : i32
      %get3A_400 = arith.index_cast %get3A_399 : i32 to index
      %get3A_401 = arith.index_cast %mul3A_285 : i32 to index
      %get3A_402 = tpu.vector_load %arg6[%get3A_400, %get3A_401] {strides = array<i32>} : memref<16x2048xf32, #tpu.memory_space<vmem>>, vector<16xf32>,
      %gather3A_403 = tpu.vector_load_idx %arg7[%add3A_398, %get3A_279] : memref<16x1000xf32, #tpu.memory_space<vmem>>[vector<16xi32>, vector<16xi32>], vector<16xf32>,
      %sub3A_404 = arith.subf %get3A_402, %gather3A_403 : vector<16xf32>
      %mul3A_405 = arith.mulf %sub3A_404, %sub3A_404 : vector<16xf32>
      %add3A_406 = arith.addf %add3A_395, %mul3A_405 : vector<16xf32>
      %add3A_407 = arith.constant 1 : i32
      %add3A_408 = vector.broadcast %add3A_407 : i32 to vector<16xi32>
      %add3A_409 = arith.addi %add3A_398, %add3A_408 : vector<16xi32>
      %get3A_410 = arith.constant 11 : i32
      %get3A_411 = arith.index_cast %get3A_410 : i32 to index
      %get3A_412 = arith.index_cast %mul3A_285 : i32 to index
      %get3A_413 = tpu.vector_load %arg6[%get3A_411, %get3A_412] {strides = array<i32>} : memref<16x2048xf32, #tpu.memory_space<vmem>>, vector<16xf32>,
      %gather3A_414 = tpu.vector_load_idx %arg7[%add3A_409, %get3A_279] : memref<16x1000xf32, #tpu.memory_space<vmem>>[vector<16xi32>, vector<16xi32>], vector<16xf32>,
      %sub3A_415 = arith.subf %get3A_413, %gather3A_414 : vector<16xf32>
      %mul3A_416 = arith.mulf %sub3A_415, %sub3A_415 : vector<16xf32>
      %add3A_417 = arith.addf %add3A_406, %mul3A_416 : vector<16xf32>
      %add3A_418 = arith.constant 1 : i32
      %add3A_419 = vector.broadcast %add3A_418 : i32 to vector<16xi32>
      %add3A_420 = arith.addi %add3A_409, %add3A_419 : vector<16xi32>
      %get3A_421 = arith.constant 12 : i32
      %get3A_422 = arith.index_cast %get3A_421 : i32 to index
      %get3A_423 = arith.index_cast %mul3A_285 : i32 to index
      %get3A_424 = tpu.vector_load %arg6[%get3A_422, %get3A_423] {strides = array<i32>} : memref<16x2048xf32, #tpu.memory_space<vmem>>, vector<16xf32>,
      %gather3A_425 = tpu.vector_load_idx %arg7[%add3A_420, %get3A_279] : memref<16x1000xf32, #tpu.memory_space<vmem>>[vector<16xi32>, vector<16xi32>], vector<16xf32>,
      %sub3A_426 = arith.subf %get3A_424, %gather3A_425 : vector<16xf32>
      %mul3A_427 = arith.mulf %sub3A_426, %sub3A_426 : vector<16xf32>
      %add3A_428 = arith.addf %add3A_417, %mul3A_427 : vector<16xf32>
      %add3A_429 = arith.constant 1 : i32
      %add3A_430 = vector.broadcast %add3A_429 : i32 to vector<16xi32>
      %add3A_431 = arith.addi %add3A_420, %add3A_430 : vector<16xi32>
      %get3A_432 = arith.constant 13 : i32
      %get3A_433 = arith.index_cast %get3A_432 : i32 to index
      %get3A_434 = arith.index_cast %mul3A_285 : i32 to index
      %get3A_435 = tpu.vector_load %arg6[%get3A_433, %get3A_434] {strides = array<i32>} : memref<16x2048xf32, #tpu.memory_space<vmem>>, vector<16xf32>,
      %gather3A_436 = tpu.vector_load_idx %arg7[%add3A_431, %get3A_279] : memref<16x1000xf32, #tpu.memory_space<vmem>>[vector<16xi32>, vector<16xi32>], vector<16xf32>,
      %sub3A_437 = arith.subf %get3A_435, %gather3A_436 : vector<16xf32>
      %mul3A_438 = arith.mulf %sub3A_437, %sub3A_437 : vector<16xf32>
      %add3A_439 = arith.addf %add3A_428, %mul3A_438 : vector<16xf32>
      %add3A_440 = arith.constant 1 : i32
      %add3A_441 = vector.broadcast %add3A_440 : i32 to vector<16xi32>
      %add3A_442 = arith.addi %add3A_431, %add3A_441 : vector<16xi32>
      %get3A_443 = arith.constant 14 : i32
      %get3A_444 = arith.index_cast %get3A_443 : i32 to index
      %get3A_445 = arith.index_cast %mul3A_285 : i32 to index
      %get3A_446 = tpu.vector_load %arg6[%get3A_444, %get3A_445] {strides = array<i32>} : memref<16x2048xf32, #tpu.memory_space<vmem>>, vector<16xf32>,
      %gather3A_447 = tpu.vector_load_idx %arg7[%add3A_442, %get3A_279] : memref<16x1000xf32, #tpu.memory_space<vmem>>[vector<16xi32>, vector<16xi32>], vector<16xf32>,
      %sub3A_448 = arith.subf %get3A_446, %gather3A_447 : vector<16xf32>
      %mul3A_449 = arith.mulf %sub3A_448, %sub3A_448 : vector<16xf32>
      %add3A_450 = arith.addf %add3A_439, %mul3A_449 : vector<16xf32>
      %add3A_451 = arith.constant 1 : i32
      %add3A_452 = vector.broadcast %add3A_451 : i32 to vector<16xi32>
      %add3A_453 = arith.addi %add3A_442, %add3A_452 : vector<16xi32>
      %get3A_454 = arith.constant 15 : i32
      %get3A_455 = arith.index_cast %get3A_454 : i32 to index
      %get3A_456 = arith.index_cast %mul3A_285 : i32 to index
      %get3A_457 = tpu.vector_load %arg6[%get3A_455, %get3A_456] {strides = array<i32>} : memref<16x2048xf32, #tpu.memory_space<vmem>>, vector<16xf32>,
      %gather3A_458 = tpu.vector_load_idx %arg7[%add3A_453, %get3A_279] : memref<16x1000xf32, #tpu.memory_space<vmem>>[vector<16xi32>, vector<16xi32>], vector<16xf32>,
      %sub3A_459 = arith.subf %get3A_457, %gather3A_458 : vector<16xf32>
      %mul3A_460 = arith.mulf %sub3A_459, %sub3A_459 : vector<16xf32>
      %add3A_461 = arith.addf %add3A_450, %mul3A_460 : vector<16xf32>
      %mul3A_462 = arith.mulf %add3A_461, %get3A_283 : vector<16xf32>
      %add3A_463 = arith.addf %scan3A_235, %mul3A_462 : vector<16xf32>
      scf.yield %add3A_463 : vector<16xf32>
    }
    %scan3A_229 = arith.constant 128 : i32
    %swap3A_230 = arith.constant 0 : index
    %swap3A_231 = tpu.vector_load %arg14[%swap3A_230] {strides = array<i32>} : memref<16xf32, #tpu.memory_space<vmem>>, vector<16xf32>,
    tpu.vector_store %arg14[%swap3A_230], %scan3A_228 {strides = array<i32>} : memref<16xf32, #tpu.memory_space<vmem>>, vector<16xf32>,
    %mul3A_232 = arith.constant 16 : i32
    %mul3A_233 = arith.muli %add3A, %mul3A_232 : i32
    "tpu.region"() ({
      %run_scoped3A_234 = tpu.sem_alloc : memref<!tpu.dma_semaphore, #tpu.memory_space<semaphore_mem>>
      %dma_start3A_235 = tpu.memref_slice %arg5[%mul3A_233] : memref<512xf32, #tpu.memory_space<hbm>> -> memref<16xf32, #tpu.memory_space<hbm>>
      %dma_start3A_236 = tpu.memref_slice %arg5[%mul3A_233] : memref<512xf32, #tpu.memory_space<hbm>> -> memref<16xf32, #tpu.memory_space<hbm>>
      tpu.enqueue_dma source(%arg14 : memref<16xf32, #tpu.memory_space<vmem>>) target(%dma_start3A_236 : memref<16xf32, #tpu.memory_space<hbm>>) target_semaphore(%run_scoped3A_234 : memref<!tpu.dma_semaphore, #tpu.memory_space<semaphore_mem>>)
      %dma_wait3A_237 = tpu.memref_slice %arg5[%mul3A_233] : memref<512xf32, #tpu.memory_space<hbm>> -> memref<16xf32, #tpu.memory_space<hbm>>
      %dma_wait3A_238 = tpu.memref_slice %arg5[%mul3A_233] : memref<512xf32, #tpu.memory_space<hbm>> -> memref<16xf32, #tpu.memory_space<hbm>>
      tpu.wait_dma2 semaphore(%run_scoped3A_234 : memref<!tpu.dma_semaphore, #tpu.memory_space<semaphore_mem>>) src(%arg14 : memref<16xf32, #tpu.memory_space<vmem>>) dst(%dma_wait3A_238 : memref<16xf32, #tpu.memory_space<hbm>>)
      tpu.yield
    }) : () -> ()
    return
  }
}

</mosaic_0001>

<sc_bundles>
// kernel: kernel.3.cloned.1.call-start
scs
__scs_entry_jumppad:
0x0: {  	(pc) =	sbr.rel $0x88, $3  }
0x1: {  	(tag) =	ssettag $0x0;
	lr =	simm.s32 $0x1  }
0x2: {  	[smem:$0x3F9E] =	sst lr;
	_ =	strace $0xD0000000  }
0x3: {  	_ = 	snop  }
0x4: {  	_ = 	snop  }
0x5: {  	_ = 	snop  }
0x6: {  	_ = 	snop  }
0x7: {  	_ = 	snop  }
__scs_overlays_trampoline_lowered:
0x8: {  	[smem:$0x3FAD] =	sst s0  }
0x9: {  	[smem:$0x3FAE] =	sst s1  }
0xa: {  	[smem:$0x3FAF] =	sst s2  }
0xb: {  	[smem:$0x3FB0] =	sst s3  }
0xc: {  	[smem:$0x3FB1] =	sst s4  }
0xd: {  	[smem:$0x3FB2] =	sst s5  }
0xe: {  	[smem:$0x3FB3] =	sst s6  }
0xf: {  	[smem:$0x3FB4] =	sst s7  }
0x10: {  	[smem:$0x3FB5] =	sst s8  }
0x11: {  	[smem:$0x3FB6] =	sst s9;
	s0 =	simm.s32 @!p0 $0x0  }
0x12: {  	s1 =	sld [smem:$0x3F9C];
	s0 =	simm.s32 @p0 $0x1  }
0x13: {  	[smem:$0x3FB7] =	sst s0;
	s0 =	simm.s32 @!p1 $0x0  }
0x14: {  	s2 =	sld [smem:$0x3F9B];
	s0 =	simm.s32 @p1 $0x1  }
0x15: {  	[smem:$0x3FB8] =	sst s0;
	s0 =	simm.s32 @!p2 $0x0  }
0x16: {  	s3 =	sld [smem:$0x3FDB];
	s0 =	simm.s32 @p2 $0x1  }
0x17: {  	s4 =	simm.s32 $0x1BF5;
	[smem:$0x3FBA] =	sst s0  }
0x18: {  	s0 =	sld [smem:$0x3F9D];
	_ =	swait.ge [sflag:s4], $0x0  }
0x19: {  	s7 =	sld [smem:$0x3F9E]  }
0x1a: {  	s8 =	sadd.s32 $0xFFFFE003, lr  }
0x1b: {  	s9 =	sadd.s32 $0xFFFFFEF7, lr;
	s5 =	simm.s32 $0xFFFFFFFF;
	p2 =	slt.u32 s8, $0xFFFFF086  }
0x1c: {  	p1 =	slt.u32 s9, $0xF7A;
	s5 =	simm.s32 @!p2 $0x0  }
0x1d: {  	s5 =	simm.s32 @p1 $0x1;
	p0 =	seq.s32 s7, s2  }
0x1e: {  	s7 =	smul.u32 @!p0 $0xF7A, s2;
	p2 =	seq.s32 @!p0 s5, $0x0  }
0x1f: {  	s9 =	smul.u32 $0xF7A, s1;
	s8 =	simm.s32 @!p0 $0x1BF5;
	p2 =	por !p2, p0  }
0x20: {  	[sflag:s8] =	ssyncset.s32 @!p0 $0xFFFFF086;
	s6 =	sadd.s32 @!p0 s3, s7;
	s7 =	simm.s32 @!p0 $0x108  }
0x21: {  	s3 =	sadd.s32 s3, s9;
	s6 =	sadd.s32 @!p0 $0x88, s6;
	s7 =	simm.s32 @p2 $0x1082  }
0x22: {  	[simem:s7], [sflag:s8] =	dma.local @!p0 [hbm:s6], $0xF7A  }
0x23: {  	s9 =	sor.u32 $0xD0000000, s2;
	s6 =	simm.s32 $0x108;
	_ =	swait.ge @!p0 [sflag:s8], $0x0  }
0x24: {  	s3 =	sadd.s32 $0x88, s3;
	s6 =	simm.s32 @!p1 $0x1082;
	[sflag:s4] =	ssyncset.s32 $0xFFFFF086  }
0x25: {  	[simem:s6], [sflag:s4] =	dma.local [hbm:s3], $0xF7A  }
0x26: {  	[smem:$0x3F9E] =	sst s1;
	(tag) =	ssettag s2;
	_ =	strace s9  }
0x27: {  	s1 =	sld [smem:$0x3FAE]  }
0x28: {  	s2 =	sld [smem:$0x3FAF]  }
0x29: {  	s4 =	sld [smem:$0x3FB1]  }
0x2a: {  	p0 =	seq.s32 s5, $0x0;
	s5 =	sld [smem:$0x3FB2]  }
0x2b: {  	s6 =	sld [smem:$0x3FB3]  }
0x2c: {  	s7 =	sld [smem:$0x3FB4]  }
0x2d: {  	s3 =	simm.s32 $0x108;
	s8 =	sld [smem:$0x3FB5]  }
0x2e: {  	s3 =	simm.s32 @!p0 $0x1082;
	s9 =	sld [smem:$0x3FB6]  }
0x2f: {  	lr =	sadd.s32 s0, s3;
	s0 =	sld [smem:$0x3FAD]  }
0x30: {  	s3 =	sld [smem:$0x3FB0]  }
0x31: {  	[smem:$0x3FB9] =	sst s10  }
0x32: {  	s10 =	sld [smem:$0x3FB7];
	_ =	sdelay $0x3  }
0x33: {  	p0 =	seq.s32 s10, $0x1;
	s10 =	sld [smem:$0x3FB9];
	_ =	sdelay $0x3  }
0x34: {  	[smem:$0x3FB9] =	sst s10  }
0x35: {  	s10 =	sld [smem:$0x3FB8];
	_ =	sdelay $0x3  }
0x36: {  	p1 =	seq.s32 s10, $0x1;
	s10 =	sld [smem:$0x3FB9];
	_ =	sdelay $0x3  }
0x37: {  	[smem:$0x3FB9] =	sst s10  }
0x38: {  	s10 =	sld [smem:$0x3FBA]  }
0x39: {  	_ = 	snop;
	(pc) =	sbr.ind lr, $3  }
0x3a: {  	_ = 	snop  }
0x3b: {  	_ = 	snop  }
0x3c: {  	p2 =	seq.s32 s10, $0x1;
	s10 =	sld [smem:$0x3FB9]  }
0x3d: {  	_ =	shalt  }
0x3e: {  	_ =	shalt  }
0x3f: {  	_ =	shalt  }
0x40: {  	_ =	shalt  }
0x41: {  	_ =	shalt  }
0x42: {  	_ =	shalt  }
0x43: {  	_ =	shalt  }
0x44: {  	_ =	shalt  }
0x45: {  	_ =	shalt  }
0x46: {  	_ =	shalt  }
0x47: {  	_ =	shalt  }
0x48: {  	_ =	shalt  }
0x49: {  	_ =	shalt  }
0x4a: {  	_ =	shalt  }
0x4b: {  	_ =	shalt  }
0x4c: {  	_ =	shalt  }
0x4d: {  	_ =	shalt  }
0x4e: {  	_ =	shalt  }
0x4f: {  	_ =	shalt  }
0x50: {  	_ =	shalt  }
0x51: {  	_ =	shalt  }
0x52: {  	_ =	shalt  }
0x53: {  	_ =	shalt  }
0x54: {  	_ =	shalt  }
0x55: {  	_ =	shalt  }
0x56: {  	_ =	shalt  }
0x57: {  	_ =	shalt  }
0x58: {  	_ =	shalt  }
0x59: {  	_ =	shalt  }
0x5a: {  	_ =	shalt  }
0x5b: {  	_ =	shalt  }
0x5c: {  	_ =	shalt  }
0x5d: {  	_ =	shalt  }
0x5e: {  	_ =	shalt  }
0x5f: {  	_ =	shalt  }
0x60: {  	_ =	shalt  }
0x61: {  	_ =	shalt  }
0x62: {  	_ =	shalt  }
0x63: {  	_ =	shalt  }
0x64: {  	_ =	shalt  }
0x65: {  	_ =	shalt  }
0x66: {  	_ =	shalt  }
0x67: {  	_ =	shalt  }
0x68: {  	_ =	shalt  }
0x69: {  	_ =	shalt  }
0x6a: {  	_ =	shalt  }
0x6b: {  	_ =	shalt  }
0x6c: {  	_ =	shalt  }
0x6d: {  	_ =	shalt  }
0x6e: {  	_ =	shalt  }
0x6f: {  	_ =	shalt  }
0x70: {  	_ =	shalt  }
0x71: {  	_ =	shalt  }
0x72: {  	_ =	shalt  }
0x73: {  	_ =	shalt  }
0x74: {  	_ =	shalt  }
0x75: {  	_ =	shalt  }
0x76: {  	_ =	shalt  }
0x77: {  	_ =	shalt  }
0x78: {  	_ =	shalt  }
0x79: {  	_ =	shalt  }
0x7a: {  	_ =	shalt  }
0x7b: {  	_ =	shalt  }
0x7c: {  	_ =	shalt  }
0x7d: {  	_ =	shalt  }
0x7e: {  	_ =	shalt  }
0x7f: {  	_ =	shalt  }
0x80: {  	_ =	shalt  }
0x81: {  	_ =	shalt  }
0x82: {  	_ =	shalt  }
0x83: {  	_ =	shalt  }
0x84: {  	_ =	shalt  }
0x85: {  	_ =	shalt  }
0x86: {  	_ =	shalt  }
0x87: {  	_ =	shalt  }
.Lfunc_end0:
.L_simem_size_0:
called_computation_lowered:
.L_overlay_start_0:
0x88: {  	s2 =	sld [smem:$0x3FD9]  }
0x89: {  	s3 =	sld [smem:$0x3FFE];
	_ =	sdelay $0x1  }
0x8a: {  	s1 =	srdreg.scid  }
0x8b: {  	s0 =	sand.u32 $0x1, s1  }
0x8c: {  	s17 =	sshll.u32 s0, $0xA;
	s2 =	sadd.s32 s3, s2  }
0x8d: {  	s2 =	sadd.s32 s2, s17  }
0x8e: {  	[smem:$0x3FC5] =	sst s2  }
0x8f: {  	_ = 	snop  }
0x90: {  	s2 =	sld [smem:$0x3FC9]  }
0x91: {  	s18 =	sld [smem:$0x3FC8]  }
0x92: {  	s4 =	sld [smem:$0x3FC7];
	(tm) =	ssettm $0x1  }
0x93: {  	s5 =	sld [smem:$0x3FFB];
	_ =	sdelay $0x3  }
0x94: {  	_ =	strace s5  }
0x95: {  	s5 =	sld [smem:$0x3FFC];
	_ =	sdelay $0x3  }
0x96: {  	_ =	strace s5  }
0x97: {  	s5 =	sld [smem:$0x3FFD];
	_ =	sdelay $0x3  }
0x98: {  	_ =	strace s5  }
0x99: {  	_ =	strace $0x8FFFFFFF  }
0x9a: {  	s19 =	sld [smem:$0x3FDB];
	_ =	sdelay $0x1  }
0x9b: {  	s6 =	simm.s32 $_scs_section_size  }
0x9c: {  	s7 =	simm.s32 $_size__tile_overlayer_lowered;
	s8 =	simm.s32 $_tile_overlayer_lowered  }
0x9d: {  	s22 =	simm.s32 $0x1BFF;
	s21 =	sshll.u32 s8, $0x1;
	s5 =	sadd.s32 s6, s19  }
0x9e: {  	s9 =	simm.s32 $0x0;
	s20 =	sshll.u32 s7, $0x1;
	s7 =	sadd.s32 s21, s5  }
0x9f: {  	[timem:s9], [sflag:s22] =	dma.local [hbm:s7], s20  }
0xa0: {  	_ =	swait.ge [sflag:s22], s20  }
0xa1: {  	s6 =	ssub.s32 $0x0, s20;
	[sflag:s22] =	ssyncset.done $0x0  }
0xa2: {  	[sflag:s22] =	ssyncadd.s32 s6;
	_ =	sdelay $0x1  }
0xa3: {  	s23 =	simm.s32 $0x1B8B  }
0xa4: {  	_ =	swait.ge [sflag:s23], $0x1  }
0xa5: {  	[sflag:s23] =	ssyncset.done $0x0  }
0xa6: {  	s25 =	simm.s32 $0x1B8E;
	s24 =	sld [smem:$0x3FFE];
	[sflag:s23] =	ssyncadd.s32 $0xFFFFFFFF  }
0xa7: {  	s26 =	simm.s32 $execute0_lowered;
	[smem:$0x3FD2] =	sst s25  }
0xa8: {  	s7 =	sshll.u32 s26, $0x1;
	_ =	strace $0x80000046;
	[dreg:$0x1] =	wrdreg $0xFFFFFFFF  }
0xa9: {  	s28 =	simm.s32 $_size_execute0_lowered;
	s5 =	sadd.s32 s5, s7;
	[dreg:$0x0] =	wrdreg $0x0  }
0xaa: {  	s7 =	sshll.u32 s28, $0x1;
	[dreg:$0x2] =	wrdreg s5  }
0xab: {  	[dreg:$0x3] =	wrdreg s7  }
0xac: {  	[dreg:$0x4] =	wrdreg $0xC0  }
0xad: {  	_ =	task [dreg:s9], $0x5FFFF  }
0xae: {  	[dreg:$0x1] =	wrdreg $0xFFFFFFFF  }
0xaf: {  	[dreg:$0x0] =	wrdreg $0x60  }
0xb0: {  	[dreg:$0x2] =	wrdreg s2  }
0xb1: {  	[dreg:$0x3] =	wrdreg s18  }
0xb2: {  	[dreg:$0x4] =	wrdreg s4  }
0xb3: {  	[dreg:$0x5] =	wrdreg s24  }
0xb4: {  	[dreg:$0x6] =	wrdreg $0xD9800  }
0xb5: {  	[dreg:$0x7] =	wrdreg $0xD9C00  }
0xb6: {  	[dreg:$0x8] =	wrdreg $0x9  }
0xb7: {  	_ =	task.clear_ibuf [dreg:s9], $0x9FFFF;
	_ =	strace $0x90000046  }
0xb8: {  	s29 =	simm.s32 $0x9;
	_ =	strace $0x80000048  }
0xb9: {  	_ =	swait.ge [sflag:s29], $0x1  }
0xba: {  	[sflag:s29] =	ssyncadd.s32 $0xFFFFFFFF  }
0xbb: {  	_ =	strace $0x90000048  }
0xbc: {  	_ =	sfence  }
0xbd: {  	s30 =	sld [smem:$0x0];
	_ =	sdelay $0x2  }
0xbe: {  	s31 =	sshll.u32 s1, $0xD;
	s1 =	sshrl.u32 s1, $0x2  }
0xbf: {  	s3 =	sand.u32 $0x4000, s31;
	s1 =	sadd.s32 s1, s30  }
0xc0: {  	s0 =	sor.u32 s3, s0;
	s1 =	sshll.u32 s1, $0x11  }
0xc1: {  	s0 =	sor.u32 s1, s0  }
0xc2: {  	s0 =	sadd.s32 $0x8F2B, s0  }
0xc3: {  	[sflag:s0] =	ssyncadd.remote.s32 $0x1  }
0xc4: {  	_ =	sfence.sel $0xFFFF  }
0xc5: {  	[dreg:$0x0] =	wrdreg $0xFFFFFFFF;
	(pc) =	sbr.abs _section_cstart, $3  }
0xc6: {  	[dreg:$0x1] =	wrdreg $0xFFFFFFFF  }
0xc7: {  	_ =	task.clear_ibuf [dreg:s9], $0x2FFFF;
	_ =	strace $0x9FFFFFFF  }
0xc8: {  	(tm) =	ssettm $0x7FFFFFFF  }
0xc9: {  	_ =	shalt  }
tec
execute0_lowered:
.L_overlay_start_1:
0x0: {  	(tag) =	ssettag $0x1  }
0x1: {  	s1 =	rddreg [dreg:$0x0]  }
0x2: {  	s2 =	rddreg [dreg:$0x1]  }
0x3: {  	s0 =	srdreg.scid;
	s7 =	rddreg [dreg:$0x2]  }
0x4: {  	s10 =	rddreg [dreg:$0x3];
	s14 =	stileid.u32  }
0x5: {  	s15 =	rddreg [dreg:$0x5];
	s5 =	simm.s32 $0x1;
	s16 =	simm.s32 $0x8000  }
0x6: {  	s20 =	simm.s32 $0x80;
	s21 =	simm.s32 $0xCC00;
	s28 =	simm.s32 $0xCB00  }
0x7: {  	s29 =	simm.s32 $0xCB80;
	s30 =	simm.s32 $0xCC80;
	s31 =	simm.s32 $0x3  }
0x8: {  	s4 =	sand.u32 $0x1, s0;
	s0 =	rddreg [dreg:$0x4];
	s9 =	sand.u32 $0x7, s14  }
0x9: {  	s23 =	sshll.u32 s14, $0x7;
	s3 =	sshll.u32 s4, $0x4;
	p1 =	sne.s32 s9, $0x0  }
0xa: {  	s4 =	ssub.s32 $0x2, s4;
	s12 =	sshll.u32 s9, $0xE;
	s24 =	sshll.u32 s9, $0x8  }
0xb: {  	s25 =	sshrl.u32 s23, $0x2;
	s8 =	sor.u32 s14, s3;
	s3 =	simm.s32 $0x0  }
0xc: {  	s11 =	sshrl.u32 s4, $0x1;
	s9 =	sadd.s32 s25, s15;
	s15 =	simm.s32 $0x0  }
0xd: {  	p0 =	seq.s32 s8, $0x0;
	[smem:$0x7FF] =	sst s3;
	s6 =	sshrl.u32 s8, $0x3  }
0xe: {  	s11 =	ssub.s32 s4, s11;
	s4 =	simm.s32 $0x1;
	p0 =	por !p1, !p0  }
0xf: {  	s26 =	sshll.u32 s8, $0x1;
	s8 =	sadd.s32 s2, s24;
	p0 =	por !p0, !p0  }
0x10: {  	_ =	strace $0x80000047;
	s10 =	sadd.s32 s10, s26;
	s5 =	simm.s32 @!p0 $0x0  }
0x11: {  	s11 =	smax.u32 s11, $0x1;
	p0 =	sne.s32 s14, $0x0;
	s5 =	ssub.s32 s6, s5  }
0x12: {  	s14 =	simm.s32 $0xD900;
	s6 =	sshll.u32 s5, $0x12;
	s5 =	sshll.u32 s5, $0xB  }
0x13: {  	s6 =	sor.u32 s12, s6;
	s13 =	sand.u32 $0x1FFFF800, s5;
	s5 =	sadd.s32 s2, s23  }
0x14: {  	s12 =	simm.s32 $0xC800;
	s6 =	sshrl.u32 s6, $0x3;
	s7 =	sadd.s32 s7, s13  }
0x15: {  	v0 =	vimm.f32 $0.0e+00;
	v1 =	vimm.f32 $1.000000000e+00;
	s13 =	simm.s32 $0x4;
	s6 =	sadd.s32 s1, s6;
	s1 =	simm.s32 $0x2  }
.LBB2_1:
0x16: {  	[tilespmem:s12], [sflag:$0x4] =	stream.linear.gather [hbm4b:s5+s3], $0x400, $0x38;
	[tilespmem:$0xD9E0] =	vst v63  }
0x17: {  	_ =	swait.ge [sflag:s13], $0x400  }
0x18: {  	[sflag:s13] =	ssyncset.done $0x0  }
0x19: {  	s2 =	simm.s32 $0x4000;
	s17 =	simm.s32 $0x20000;
	[sflag:s13] =	ssyncadd.s32 $0xFFFFFC00  }
0x1a: {  	[tilespmem:s3], [sflag:$0x1] =	stream.strided.gather [hbm4b:s6+s2], $0x8000, s17, s2, $0x38;
	[tilespmem:$0xD9E0] =	vst v63  }
0x1b: {  	_ = 	snop  }
0x1c: {  	[tilespmem:s16], [sflag:$0x2] =	stream.linear.gather [hbm4b:s7+s3], $0x4000, $0x38;
	[tilespmem:$0xD9E0] =	vst v63  }
0x1d: {  	s26 =	simm.s32 $0xC000;
	s2 =	simm.s32 $0x40;
	s17 =	simm.s32 $0x0  }
0x1e: {  	[tilespmem:s26], [sflag:$0x3] =	stream.linear.gather [hbm4b:s8+s3], $0x800, $0x38;
	[tilespmem:$0xD9E0] =	vst v63  }
.LBB2_2:
0x1f: {  	p1 =	sne.s32 s2, $0xFC0;
	[tilespmem:s17+$0xCC80] =	vst v0;
	s17 =	smov.u32 s2;
	s2 =	sadd.s32 $0x40, s2  }
.Ltmp0:
0x20: {  	(pc) =	sbr.rel @p1 .LBB2_2-.Ltmp0, $2  }
0x21: {  	_ =	sdelay $0x2  }
0x22: {  	s17 =	sshra.s32 s17, $0x2  }
0x23: {  	[tilespmem:s17+$0xCC80] =	vst v0;
	s2 =	simm.s32 @!p0 $0xCC80  }
0x24: {  	[spmem:s0] =	stream.linear.scatter @!p0 [tilespmem:s2], [sflag:$0x4], $0x400, $0x38;
	[tilespmem:$0xD9E0] =	vst v63  }
0x25: {  	s2 =	simm.s32 @!p0 $0x4  }
0x26: {  	_ =	swait.ge @!p0 [sflag:s2], $0x400  }
0x27: {  	[sflag:s2] =	ssyncset.done @!p0 $0x0  }
0x28: {  	s18 =	simm.s32 $0x0;
	[sflag:s2] =	ssyncadd.s32 @!p0 $0xFFFFFC00  }
0x29: {  	v2 =	vld [tilespmem:s18+$0xC800]  }
0x2a: {  	v3 =	vld [tilespmem:s18+$0xC810]  }
0x2b: {  	v6 =	vld [tilespmem:s18+$0xC820]  }
0x2c: {  	v5 =	vld [tilespmem:s18+$0xC830]  }
0x2d: {  	v4 =	vld [tilespmem:s18+$0xC840]  }
0x2e: {  	v8 =	vcvt.s32.f32 v2;
	v2 =	vld [tilespmem:s18+$0xC850]  }
0x2f: {  	v9 =	vimm.f32 $1.000000000e+09;
	v11 =	vimm.f32 $-1.000000000e+09;
	v7 =	vcvt.s32.f32 v3;
	v3 =	vld [tilespmem:s18+$0xC860]  }
0x30: {  	s17 =	simm.s32 $0x400;
	s2 =	simm.s32 $0x80;
	v10 =	vmin.f32 v9, v8;
	v9 =	vmax.f32 v11, v8;
	v8 =	vcvt.s32.f32 v6;
	v6 =	vld [tilespmem:s18+$0xC870]  }
.LBB2_4:
0x31: {  	p1 =	sne.s32 s17, $0xE00;
	v11 =	vld [tilespmem:s2+$0xC800];
	v10 =	vmin.f32 v10, v7;
	v7 =	vmax.f32 v9, v7;
	v5 =	vcvt.s32.f32 v5  }
0x32: {  	v9 =	vld [tilespmem:s2+$0xC810];
	v10 =	vmin.f32 v10, v8;
	v7 =	vmax.f32 v7, v8;
	v4 =	vcvt.s32.f32 v4  }
0x33: {  	v8 =	vld [tilespmem:s2+$0xC820];
	v10 =	vmin.f32 v10, v5;
	v7 =	vmax.f32 v7, v5;
	v2 =	vcvt.s32.f32 v2  }
.Ltmp1:
0x34: {  	v5 =	vld [tilespmem:s2+$0xC830];
	v10 =	vmin.f32 v10, v4;
	v7 =	vmax.f32 v7, v4;
	v3 =	vcvt.s32.f32 v3;
	(pc) =	sbr.rel @p1 .LBB2_4-.Ltmp1, $4  }
0x35: {  	v4 =	vld [tilespmem:s2+$0xC840];
	v10 =	vmin.f32 v10, v2;
	v7 =	vmax.f32 v7, v2;
	v6 =	vcvt.s32.f32 v6  }
0x36: {  	v11 =	vcvt.s32.f32 v11;
	v2 =	vld [tilespmem:s2+$0xC850];
	v10 =	vmin.f32 v10, v3;
	v12 =	vmax.f32 v7, v3  }
0x37: {  	v7 =	vcvt.s32.f32 v9;
	v3 =	vld [tilespmem:s2+$0xC860];
	v9 =	vmin.f32 v10, v6;
	v6 =	vmax.f32 v12, v6  }
0x38: {  	v10 =	vmin.f32 v9, v11;
	v9 =	vmax.f32 v6, v11;
	v8 =	vcvt.s32.f32 v8;
	v6 =	vld [tilespmem:s2+$0xC870];
	s2 =	sshra.s32 s17, $0x2;
	s17 =	sadd.s32 $0x200, s17  }
0x39: {  	v11 =	vld [tilespmem:s2+$0xC800];
	v10 =	vmin.f32 v10, v7;
	v5 =	vcvt.s32.f32 v5  }
0x3a: {  	v7 =	vmax.f32 v9, v7;
	v9 =	vld [tilespmem:s2+$0xC810];
	v10 =	vmin.f32 v10, v8;
	v4 =	vcvt.s32.f32 v4  }
0x3b: {  	v7 =	vmax.f32 v7, v8;
	v8 =	vld [tilespmem:s2+$0xC820];
	v10 =	vmin.f32 v10, v5;
	v2 =	vcvt.s32.f32 v2  }
0x3c: {  	v5 =	vmax.f32 v7, v5;
	v7 =	vld [tilespmem:s2+$0xC830];
	v10 =	vmin.f32 v10, v4;
	v3 =	vcvt.s32.f32 v3  }
0x3d: {  	v4 =	vmax.f32 v5, v4;
	v5 =	vld [tilespmem:s2+$0xC840];
	v10 =	vmin.f32 v10, v2;
	v6 =	vcvt.s32.f32 v6  }
0x3e: {  	v2 =	vmax.f32 v4, v2;
	v4 =	vcvt.s32.f32 v11;
	v11 =	vld [tilespmem:s2+$0xC850];
	v10 =	vmin.f32 v10, v3  }
0x3f: {  	v2 =	vmax.f32 v2, v3;
	v3 =	vcvt.s32.f32 v9;
	v9 =	vld [tilespmem:s2+$0xC860];
	v10 =	vmin.f32 v10, v6  }
0x40: {  	v2 =	vmax.f32 v2, v6;
	v8 =	vcvt.s32.f32 v8;
	v6 =	vmin.f32 v10, v4;
	v10 =	vld [tilespmem:s2+$0xC870]  }
0x41: {  	v2 =	vmax.f32 v2, v4;
	v4 =	vmin.f32 v6, v3;
	v6 =	vcvt.s32.f32 v7  }
0x42: {  	v2 =	vmax.f32 v2, v3;
	v3 =	vmin.f32 v4, v8;
	v4 =	vcvt.s32.f32 v5  }
0x43: {  	v2 =	vmax.f32 v2, v8;
	v3 =	vmin.f32 v3, v6;
	v5 =	vcvt.s32.f32 v11  }
0x44: {  	v2 =	vmax.f32 v2, v6;
	v6 =	vcvt.s32.f32 v9;
	v3 =	vmin.f32 v3, v4  }
0x45: {  	v2 =	vmax.f32 v2, v4;
	v3 =	vmin.f32 v3, v5;
	v4 =	vcvt.s32.f32 v10  }
0x46: {  	v2 =	vmax.f32 v2, v5;
	v3 =	vmin.f32 v3, v6  }
0x47: {  	v2 =	vmax.f32 v2, v6;
	v3 =	vmin.f32 v3, v4  }
0x48: {  	v2 =	vmax.f32 v2, v4;
	[tilespmem:$0xD880] =	vst v3  }
0x49: {  	s25 =	simm.s32 $0xD880;
	[tilespmem:$0xD890] =	vst v2  }
0x4a: {  	[spmem:s9] =	stream.linear.scatter [tilespmem:s25], [sflag:$0x4], $0x20, $0x38;
	[tilespmem:$0xD9E0] =	vst v63  }
0x4b: {  	_ =	swait.ge [sflag:s13], $0x20  }
0x4c: {  	[sflag:s13] =	ssyncset.done $0x0  }
0x4d: {  	[sflag:s13] =	ssyncadd.s32 $0xFFFFFFE0  }
0x4e: {  	[bflag:$0x0] =	sbarrier.arrive $0xFFFF  }
0x4f: {  	s17 =	simm.s32 $0xD080;
	s26 =	rddreg [dreg:$0x5]  }
0x50: {  	[tilespmem:s17], [sflag:$0x4] =	stream.linear.gather [spmem:s26], $0x200, $0x38;
	[tilespmem:$0xD9E0] =	vst v63  }
0x51: {  	_ =	swait.ge [sflag:s13], $0x200  }
0x52: {  	[sflag:s13] =	ssyncset.done $0x0  }
0x53: {  	[sflag:s13] =	ssyncadd.s32 $0xFFFFFE00  }
0x54: {  	v4 =	vld [tilespmem:$0xD080]  }
0x55: {  	v5 =	vld [tilespmem:$0xD090]  }
0x56: {  	v6 =	vld [tilespmem:$0xD0A0]  }
0x57: {  	v7 =	vld [tilespmem:$0xD0B0]  }
0x58: {  	v8 =	vld [tilespmem:$0xD0C0]  }
0x59: {  	v9 =	vld [tilespmem:$0xD0D0]  }
0x5a: {  	v10 =	vld [tilespmem:$0xD0E0]  }
0x5b: {  	v11 =	vld [tilespmem:$0xD0F0]  }
0x5c: {  	v12 =	vld [tilespmem:$0xD100]  }
0x5d: {  	v13 =	vld [tilespmem:$0xD110]  }
0x5e: {  	v14 =	vld [tilespmem:$0xD120]  }
0x5f: {  	v15 =	vld [tilespmem:$0xD130]  }
0x60: {  	v16 =	vld [tilespmem:$0xD140]  }
0x61: {  	v17 =	vld [tilespmem:$0xD150]  }
0x62: {  	v18 =	vld [tilespmem:$0xD160]  }
0x63: {  	v19 =	vld [tilespmem:$0xD170]  }
0x64: {  	v20 =	vld [tilespmem:$0xD180]  }
0x65: {  	v21 =	vld [tilespmem:$0xD190]  }
0x66: {  	v22 =	vld [tilespmem:$0xD1A0]  }
0x67: {  	v23 =	vld [tilespmem:$0xD1B0]  }
0x68: {  	v61 =	vld [tilespmem:$0xD240];
	v3 =	vmin.f32 v3, v4  }
0x69: {  	v62 =	vld [tilespmem:$0xD250];
	v2 =	vmax.f32 v2, v5;
	v3 =	vmin.f32 v3, v6  }
0x6a: {  	v4 =	vld [tilespmem:$0xD1C0];
	v2 =	vmax.f32 v2, v7;
	v3 =	vmin.f32 v3, v8  }
0x6b: {  	v5 =	vld [tilespmem:$0xD1D0];
	v2 =	vmax.f32 v2, v9;
	v3 =	vmin.f32 v3, v10  }
0x6c: {  	v6 =	vld [tilespmem:$0xD1E0];
	v2 =	vmax.f32 v2, v11;
	v3 =	vmin.f32 v3, v12  }
0x6d: {  	v7 =	vld [tilespmem:$0xD1F0];
	v2 =	vmax.f32 v2, v13;
	v3 =	vmin.f32 v3, v14  }
0x6e: {  	v8 =	vld [tilespmem:$0xD200];
	v2 =	vmax.f32 v2, v15;
	v3 =	vmin.f32 v3, v16  }
0x6f: {  	v9 =	vld [tilespmem:$0xD210];
	v2 =	vmax.f32 v2, v17;
	v3 =	vmin.f32 v3, v18  }
0x70: {  	v10 =	vld [tilespmem:$0xD220];
	v2 =	vmax.f32 v2, v19;
	v3 =	vmin.f32 v3, v20  }
0x71: {  	v11 =	vld [tilespmem:$0xD230];
	v2 =	vmax.f32 v2, v21;
	v3 =	vmin.f32 v3, v22  }
0x72: {  	v2 =	vmax.f32 v2, v23;
	v3 =	vmin.f32 v3, v4;
	v4 =	vld [tilespmem:$0xD260]  }
0x73: {  	v2 =	vmax.f32 v2, v5;
	v5 =	vld [tilespmem:$0xD270];
	v3 =	vmin.f32 v3, v6  }
0x74: {  	v2 =	vmax.f32 v2, v7;
	v3 =	vmin.f32 v3, v8  }
0x75: {  	v2 =	vmax.f32 v2, v9;
	v3 =	vmin.f32 v3, v10  }
0x76: {  	v2 =	vmax.f32 v2, v11;
	v3 =	vmin.f32 v3, v61  }
0x77: {  	v2 =	vmax.f32 v2, v62;
	v3 =	vmin.f32 v3, v4  }
0x78: {  	v2 =	vmax.f32 v2, v5;
	(v2sf) =	vpush v3, $0x0  }
0x79: {  	(v2sf) =	vpush v2, $0x0  }
0x7a: {  	(v2sf) =	vpush v3, $0x1  }
0x7b: {  	(v2sf) =	vpush v2, $0x1  }
0x7c: {  	(v2sf) =	vpush v3, $0x2  }
0x7d: {  	(v2sf) =	vpush v2, $0x2  }
0x7e: {  	(v2sf) =	vpush v3, $0x3  }
0x7f: {  	(v2sf) =	vpush v2, $0x3  }
0x80: {  	(v2sf) =	vpush v3, $0x4  }
0x81: {  	(v2sf) =	vpush v2, $0x4  }
0x82: {  	(v2sf) =	vpush v3, $0x5  }
0x83: {  	(v2sf) =	vpush v2, $0x5  }
0x84: {  	(v2sf) =	vpush v3, $0x6  }
0x85: {  	(v2sf) =	vpush v2, $0x6  }
0x86: {  	(v2sf) =	vpush v3, $0x7  }
0x87: {  	s17 =	spop (v2sf);
	(v2sf) =	vpush v2, $0x7  }
0x88: {  	s22 =	spop (v2sf);
	(v2sf) =	vpush v3, $0x8  }
0x89: {  	s18 =	spop (v2sf);
	(v2sf) =	vpush v2, $0x8  }
0x8a: {  	s19 =	spop (v2sf);
	(v2sf) =	vpush v3, $0x9  }
0x8b: {  	s2 =	smin.f32 s17, s18;
	s23 =	spop (v2sf);
	(v2sf) =	vpush v2, $0x9  }
0x8c: {  	s17 =	smax.f32 s22, s19;
	s24 =	spop (v2sf);
	(v2sf) =	vpush v3, $0xA  }
0x8d: {  	s2 =	smin.f32 s2, s23;
	s25 =	spop (v2sf);
	(v2sf) =	vpush v2, $0xA  }
0x8e: {  	s17 =	smax.f32 s17, s24;
	s26 =	spop (v2sf);
	(v2sf) =	vpush v3, $0xB  }
0x8f: {  	s2 =	smin.f32 s2, s25;
	s22 =	spop (v2sf);
	(v2sf) =	vpush v2, $0xB  }
0x90: {  	s17 =	smax.f32 s17, s26;
	s23 =	spop (v2sf);
	(v2sf) =	vpush v3, $0xC  }
0x91: {  	s2 =	smin.f32 s2, s22;
	s24 =	spop (v2sf);
	(v2sf) =	vpush v2, $0xC  }
0x92: {  	s17 =	smax.f32 s17, s23;
	s25 =	spop (v2sf);
	(v2sf) =	vpush v3, $0xD  }
0x93: {  	s2 =	smin.f32 s2, s24;
	s26 =	spop (v2sf);
	(v2sf) =	vpush v2, $0xD  }
0x94: {  	s17 =	smax.f32 s17, s25;
	s22 =	spop (v2sf);
	(v2sf) =	vpush v3, $0xE  }
0x95: {  	s2 =	smin.f32 s2, s26;
	s23 =	spop (v2sf);
	(v2sf) =	vpush v2, $0xE  }
0x96: {  	s17 =	smax.f32 s17, s22;
	s24 =	spop (v2sf);
	(v2sf) =	vpush v3, $0xF  }
0x97: {  	s2 =	smin.f32 s2, s23;
	s25 =	spop (v2sf);
	(v2sf) =	vpush v2, $0xF  }
0x98: {  	s17 =	smax.f32 s17, s24;
	s26 =	spop (v2sf)  }
0x99: {  	s2 =	smin.f32 s2, s25;
	s22 =	spop (v2sf)  }
0x9a: {  	s17 =	smax.f32 s17, s26;
	s23 =	spop (v2sf)  }
0x9b: {  	s2 =	smin.f32 s2, s22;
	s24 =	spop (v2sf)  }
0x9c: {  	s17 =	smax.f32 s17, s23;
	s25 =	spop (v2sf)  }
0x9d: {  	s2 =	smin.f32 s2, s24;
	s26 =	spop (v2sf)  }
0x9e: {  	s17 =	smax.f32 s17, s25;
	s22 =	spop (v2sf)  }
0x9f: {  	s2 =	smin.f32 s2, s26;
	s23 =	spop (v2sf)  }
0xa0: {  	s17 =	smax.f32 s17, s22;
	s24 =	spop (v2sf)  }
0xa1: {  	s2 =	smin.f32 s2, s23;
	s25 =	spop (v2sf)  }
0xa2: {  	s17 =	smax.f32 s17, s24;
	s26 =	spop (v2sf)  }
0xa3: {  	s2 =	smin.f32 s2, s25;
	s22 =	spop (v2sf)  }
0xa4: {  	s17 =	smax.f32 s17, s26;
	s23 =	spop (v2sf)  }
0xa5: {  	s2 =	smin.f32 s2, s22;
	s24 =	spop (v2sf)  }
0xa6: {  	[tilespmem:$0xCC00] =	vst v1;
	s17 =	smax.f32 s17, s23;
	s25 =	spop (v2sf)  }
0xa7: {  	[tilespmem:$0xCC10] =	vst v1;
	s18 =	smin.f32 s2, s24;
	s26 =	smax.f32 s17, s25  }
0xa8: {  	[tilespmem:$0xCC20] =	vst v1;
	s2 =	ssub.f32 s26, s18  }
0xa9: {  	[tilespmem:$0xCC30] =	vst v1  }
0xaa: {  	[tilespmem:$0xCC40] =	vst v1;
	p1 =	seq.f32 s2, $0.0e+00  }
0xab: {  	[tilespmem:$0xCC50] =	vst v1  }
0xac: {  	[tilespmem:$0xCC60] =	vst v1;
	s2 =	simm.s32 @p1 $0x3F800000  }
0xad: {  	[tilespmem:$0xCC70] =	vst v1;
	v2 =	vmov s2;
	s2 =	simm.s32 $0x0  }
0xae: {  	(erf) = vrcp.f32 v2;
	v2 =	vld [tilespmem:s2+$0xC870];
	_ =	sdelay $0x3  }
0xaf: {  	v4 =	vld [tilespmem:s2+$0xC830]  }
0xb0: {  	v2 =	vcvt.s32.f32 v2;
	_ =	sdelay $0x1  }
0xb1: {  	v3 =	vmov s18  }
0xb2: {  	v6 =	vld [tilespmem:s2+$0xC810];
	v5 =	vsub.f32 v2, v3  }
0xb3: {  	v4 =	vcvt.s32.f32 v4;
	v2 =	vpop (erf)  }
0xb4: {  	v7 =	vld [tilespmem:s2+$0xC860];
	v5 =	vmul.f32 v5, v2  }
0xb5: {  	v8 =	vld [tilespmem:s2+$0xC820];
	v4 =	vsub.f32 v4, v3  }
0xb6: {  	v5 =	vmul.f32 $1.000000000e+03, v5  }
0xb7: {  	v6 =	vcvt.s32.f32 v6;
	v4 =	vmul.f32 v4, v2  }
0xb8: {  	v9 =	vld [tilespmem:s2+$0xC800];
	v5 =	vtrunc.f32 v5  }
0xb9: {  	v6 =	vsub.f32 v6, v3;
	v4 =	vmul.f32 $1.000000000e+03, v4;
	v5 =	vcvt.f32.s32 v5  }
0xba: {  	v7 =	vcvt.s32.f32 v7;
	v11 =	vcvt.s32.f32 v8  }
0xbb: {  	v6 =	vmul.f32 v6, v2;
	v4 =	vtrunc.f32 v4;
	vm0 =	vgt.s32 v5, $0x0  }
0xbc: {  	v7 =	vsub.f32 v7, v3;
	v4 =	vcvt.f32.s32 v4;
	v10 =	vnsel vm0, $0x0, v5;
	v5 =	vld [tilespmem:s2+$0xC850]  }
0xbd: {  	v8 =	vcvt.s32.f32 v9;
	v63 =	vmin.u32 v10, $0x3E7;
	v10 =	vmul.f32 $1.000000000e+03, v6  }
0xbe: {  	s17 =	simm.s32 $0x200;
	v9 =	vsub.f32 v11, v3;
	v7 =	vmul.f32 v7, v2;
	vm0 =	vgt.s32 v4, $0x0;
	v6 =	vld [tilespmem:s2+$0xC840];
	[tilespmem:s2+$0xC870] =	vst v63  }
.LBB2_6:
0xbf: {  	s18 =	sshra.s32 s17, $0x2;
	p1 =	sne.s32 s17, $0xE00;
	s17 =	sadd.s32 $0x200, s17;
	v8 =	vsub.f32 v8, v3;
	v10 =	vtrunc.f32 v10  }
0xc0: {  	v4 =	vnsel vm0, $0x0, v4;
	v11 =	vld [tilespmem:s18+$0xC870];
	v10 =	vcvt.f32.s32 v10;
	v9 =	vmul.f32 v9, v2  }
0xc1: {  	v4 =	vmin.u32 v4, $0x3E7;
	v7 =	vmul.f32 $1.000000000e+03, v7;
	v5 =	vcvt.s32.f32 v5  }
0xc2: {  	v8 =	vmul.f32 v8, v2;
	vm0 =	vgt.s32 v10, $0x0;
	v9 =	vmul.f32 $1.000000000e+03, v9;
	[tilespmem:s2+$0xC830] =	vst v4  }
0xc3: {  	v7 =	vtrunc.f32 v7;
	v4 =	vld [tilespmem:s18+$0xC830];
	v10 =	vnsel vm0, $0x0, v10;
	v6 =	vcvt.s32.f32 v6  }
0xc4: {  	v5 =	vsub.f32 v5, v3;
	v7 =	vcvt.f32.s32 v7;
	v9 =	vtrunc.f32 v9  }
0xc5: {  	v8 =	vmul.f32 $1.000000000e+03, v8;
	v11 =	vcvt.s32.f32 v11;
	v6 =	vsub.f32 v6, v3  }
0xc6: {  	v10 =	vmin.u32 v10, $0x3E7;
	v9 =	vcvt.f32.s32 v9;
	v5 =	vmul.f32 v5, v2  }
0xc7: {  	vm0 =	vgt.s32 v7, $0x0;
	v11 =	vsub.f32 v11, v3;
	[tilespmem:s2+$0xC810] =	vst v10;
	v6 =	vmul.f32 v6, v2  }
0xc8: {  	v8 =	vtrunc.f32 v8;
	v7 =	vnsel vm0, $0x0, v7;
	v10 =	vld [tilespmem:s18+$0xC810];
	v4 =	vcvt.s32.f32 v4  }
0xc9: {  	v5 =	vmul.f32 $1.000000000e+03, v5;
	v7 =	vmin.u32 v7, $0x3E7;
	v6 =	vmul.f32 $1.000000000e+03, v6  }
0xca: {  	v8 =	vcvt.f32.s32 v8;
	v4 =	vsub.f32 v4, v3;
	[tilespmem:s2+$0xC860] =	vst v7  }
0xcb: {  	vm0 =	vgt.s32 v9, $0x0;
	v11 =	vmul.f32 v11, v2;
	v5 =	vtrunc.f32 v5;
	v7 =	vld [tilespmem:s18+$0xC860]  }
0xcc: {  	vm1 =	vgt.s32 v8, $0x0;
	v5 =	vcvt.f32.s32 v5;
	v4 =	vmul.f32 v4, v2  }
0xcd: {  	v9 =	vnsel vm0, $0x0, v9;
	v8 =	vnsel vm1, $0x0, v8;
	v10 =	vcvt.s32.f32 v10  }
0xce: {  	v9 =	vmin.u32 v9, $0x3E7;
	v11 =	vmul.f32 $1.000000000e+03, v11;
	v4 =	vmul.f32 $1.000000000e+03, v4  }
0xcf: {  	v8 =	vmin.u32 v8, $0x3E7;
	v6 =	vtrunc.f32 v6;
	v10 =	vsub.f32 v10, v3;
	[tilespmem:s2+$0xC820] =	vst v9  }
0xd0: {  	v6 =	vcvt.f32.s32 v6;
	vm0 =	vgt.s32 v5, $0x0;
	v11 =	vtrunc.f32 v11;
	v9 =	vld [tilespmem:s18+$0xC820];
	[tilespmem:s2+$0xC800] =	vst v8  }
0xd1: {  	v5 =	vnsel vm0, $0x0, v5;
	v11 =	vcvt.f32.s32 v11;
	v8 =	vld [tilespmem:s18+$0xC800];
	v10 =	vmul.f32 v10, v2  }
0xd2: {  	vm0 =	vgt.s32 v6, $0x0;
	v5 =	vmin.u32 v5, $0x3E7;
	v7 =	vcvt.s32.f32 v7  }
.Ltmp2:
0xd3: {  	v6 =	vnsel vm0, $0x0, v6;
	v4 =	vtrunc.f32 v4;
	vm1 =	vgt.s32 v11, $0x0;
	[tilespmem:s2+$0xC850] =	vst v5;
	(pc) =	sbr.rel @p1 .LBB2_6-.Ltmp2, $4  }
0xd4: {  	v6 =	vmin.u32 v6, $0x3E7;
	v4 =	vcvt.f32.s32 v4;
	v11 =	vnsel vm1, $0x0, v11  }
0xd5: {  	v7 =	vsub.f32 v7, v3;
	v11 =	vmin.u32 v11, $0x3E7;
	v9 =	vcvt.s32.f32 v9;
	v5 =	vld [tilespmem:s18+$0xC850];
	[tilespmem:s2+$0xC840] =	vst v6;
	s2 =	smov.u32 s18  }
0xd6: {  	v10 =	vmul.f32 $1.000000000e+03, v10;
	v8 =	vcvt.s32.f32 v8;
	[tilespmem:s2+$0xC870] =	vst v11  }
0xd7: {  	vm0 =	vgt.s32 v4, $0x0;
	v7 =	vmul.f32 v7, v2;
	v9 =	vsub.f32 v9, v3;
	v6 =	vld [tilespmem:s2+$0xC840]  }
0xd8: {  	_ = 	snop  }
0xd9: {  	v10 =	vtrunc.f32 v10  }
0xda: {  	v8 =	vsub.f32 v8, v3;
	v10 =	vcvt.f32.s32 v10;
	v9 =	vmul.f32 v9, v2  }
0xdb: {  	v4 =	vnsel vm0, $0x0, v4;
	v7 =	vmul.f32 $1.000000000e+03, v7;
	v5 =	vcvt.s32.f32 v5  }
0xdc: {  	v4 =	vmin.u32 v4, $0x3E7;
	v8 =	vmul.f32 v8, v2;
	v6 =	vcvt.s32.f32 v6  }
0xdd: {  	v9 =	vmul.f32 $1.000000000e+03, v9;
	v7 =	vtrunc.f32 v7;
	v5 =	vsub.f32 v5, v3  }
0xde: {  	vm11 =	vgt.s32 v10, $0x0;
	v7 =	vcvt.f32.s32 v7;
	v3 =	vsub.f32 v6, v3  }
0xdf: {  	v61 =	vnsel vm11, $0x0, v10;
	v8 =	vmul.f32 $1.000000000e+03, v8;
	v5 =	vmul.f32 v5, v2  }
0xe0: {  	v9 =	vtrunc.f32 v9;
	v6 =	vmin.u32 v61, $0x3E7;
	v2 =	vmul.f32 v3, v2  }
0xe1: {  	vm12 =	vgt.s32 v7, $0x0;
	v8 =	vtrunc.f32 v8;
	v5 =	vmul.f32 $1.000000000e+03, v5  }
0xe2: {  	v7 =	vnsel vm12, $0x0, v7;
	v3 =	vcvt.f32.s32 v9;
	v2 =	vmul.f32 $1.000000000e+03, v2  }
0xe3: {  	v8 =	vcvt.f32.s32 v8;
	v7 =	vmin.u32 v7, $0x3E7;
	v5 =	vtrunc.f32 v5  }
0xe4: {  	[tilespmem:s2+$0xC830] =	vst v4;
	vm13 =	vgt.s32 v3, $0x0;
	v62 =	vcvt.f32.s32 v5;
	v2 =	vtrunc.f32 v2  }
0xe5: {  	[tilespmem:s2+$0xC810] =	vst v6;
	vm1 =	vgt.s32 v8, $0x0;
	v3 =	vnsel vm13, $0x0, v3;
	v2 =	vcvt.f32.s32 v2  }
0xe6: {  	[tilespmem:s2+$0xC860] =	vst v7;
	v63 =	vnsel vm1, $0x0, v8;
	v3 =	vmin.u32 v3, $0x3E7;
	vm14 =	vgt.s32 v62, $0x0  }
0xe7: {  	v5 =	vmin.u32 v63, $0x3E7;
	[tilespmem:s2+$0xC820] =	vst v3;
	v3 =	vnsel vm14, $0x0, v62;
	vm15 =	vgt.s32 v2, $0x0  }
0xe8: {  	[tilespmem:s2+$0xC800] =	vst v5;
	v3 =	vmin.u32 v3, $0x3E7;
	v2 =	vnsel vm15, $0x0, v2  }
0xe9: {  	[tilespmem:s2+$0xC850] =	vst v3;
	v2 =	vmin.u32 v2, $0x3E7  }
0xea: {  	[tilespmem:s2+$0xC840] =	vst v2  }
0xeb: {  	[spmem:s0] =	stream.indirect.scatter.add.f32 [tilespmem:s21], [sflag:$0x4], $0x1, s12, s20, $0xb8;
	[tilespmem:$0xD9E0] =	vst v63  }
0xec: {  	_ =	swait.ge [sflag:s13], $0x80  }
0xed: {  	[sflag:s13] =	ssyncset.done $0x0  }
0xee: {  	s22 =	simm.s32 $0xC880;
	[sflag:s13] =	ssyncadd.s32 $0xFFFFFF80  }
0xef: {  	[spmem:s0] =	stream.indirect.scatter.add.f32 [tilespmem:s21], [sflag:$0x4], $0x1, s22, s20, $0xb8;
	[tilespmem:$0xD9E0] =	vst v63  }
0xf0: {  	_ =	swait.ge [sflag:s13], $0x80  }
0xf1: {  	[sflag:s13] =	ssyncset.done $0x0  }
0xf2: {  	s23 =	simm.s32 $0xC900;
	[sflag:s13] =	ssyncadd.s32 $0xFFFFFF80  }
0xf3: {  	[spmem:s0] =	stream.indirect.scatter.add.f32 [tilespmem:s21], [sflag:$0x4], $0x1, s23, s20, $0xb8;
	[tilespmem:$0xD9E0] =	vst v63  }
0xf4: {  	_ =	swait.ge [sflag:s13], $0x80  }
0xf5: {  	[sflag:s13] =	ssyncset.done $0x0  }
0xf6: {  	s24 =	simm.s32 $0xC980;
	[sflag:s13] =	ssyncadd.s32 $0xFFFFFF80  }
0xf7: {  	[spmem:s0] =	stream.indirect.scatter.add.f32 [tilespmem:s21], [sflag:$0x4], $0x1, s24, s20, $0xb8;
	[tilespmem:$0xD9E0] =	vst v63  }
0xf8: {  	_ =	swait.ge [sflag:s13], $0x80  }
0xf9: {  	[sflag:s13] =	ssyncset.done $0x0  }
0xfa: {  	s25 =	simm.s32 $0xCA00;
	[sflag:s13] =	ssyncadd.s32 $0xFFFFFF80  }
0xfb: {  	[spmem:s0] =	stream.indirect.scatter.add.f32 [tilespmem:s21], [sflag:$0x4], $0x1, s25, s20, $0xb8;
	[tilespmem:$0xD9E0] =	vst v63  }
0xfc: {  	_ =	swait.ge [sflag:s13], $0x80  }
0xfd: {  	[sflag:s13] =	ssyncset.done $0x0  }
0xfe: {  	s26 =	simm.s32 $0xCA80;
	[sflag:s13] =	ssyncadd.s32 $0xFFFFFF80  }
0xff: {  	[spmem:s0] =	stream.indirect.scatter.add.f32 [tilespmem:s21], [sflag:$0x4], $0x1, s26, s20, $0xb8;
	[tilespmem:$0xD9E0] =	vst v63  }
0x100: {  	_ =	swait.ge [sflag:s13], $0x80  }
0x101: {  	[sflag:s13] =	ssyncset.done $0x0  }
0x102: {  	[sflag:s13] =	ssyncadd.s32 $0xFFFFFF80  }
0x103: {  	[spmem:s0] =	stream.indirect.scatter.add.f32 [tilespmem:s21], [sflag:$0x4], $0x1, s28, s20, $0xb8;
	[tilespmem:$0xD9E0] =	vst v63  }
0x104: {  	_ =	swait.ge [sflag:s13], $0x80  }
0x105: {  	[sflag:s13] =	ssyncset.done $0x0  }
0x106: {  	[sflag:s13] =	ssyncadd.s32 $0xFFFFFF80  }
0x107: {  	[spmem:s0] =	stream.indirect.scatter.add.f32 [tilespmem:s21], [sflag:$0x4], $0x1, s29, s20, $0xb8;
	[tilespmem:$0xD9E0] =	vst v63  }
0x108: {  	_ =	swait.ge [sflag:s13], $0x80  }
0x109: {  	[sflag:s13] =	ssyncset.done $0x0  }
0x10a: {  	[sflag:s13] =	ssyncadd.s32 $0xFFFFFF80  }
0x10b: {  	[bflag:$0x0] =	sbarrier.arrive $0xFFFF  }
0x10c: {  	[tilespmem:s30], [sflag:$0x4] =	stream.linear.gather [spmem:s0], $0x400, $0x38;
	[tilespmem:$0xD9E0] =	vst v63  }
0x10d: {  	_ =	swait.ge [sflag:s13], $0x400  }
0x10e: {  	[sflag:s13] =	ssyncset.done $0x0  }
0x10f: {  	[sflag:s13] =	ssyncadd.s32 $0xFFFFFC00  }
0x110: {  	_ =	swait.ge [sflag:s31], $0x800  }
0x111: {  	[sflag:s31] =	ssyncset.done $0x0  }
0x112: {  	s2 =	simm.s32 $0x0;
	[sflag:s31] =	ssyncadd.s32 $0xFFFFF800  }
0x113: {  	v2 =	vld [tilespmem:s2+$0xC000];
	_ =	sdelay $0x7  }
0x114: {  	v2 =	vld.idx.msk [tilespmem:v2+s30+$0x0], $0xffff;
	_ =	sdelay $0x4  }
0x115: {  	(erf) = vrcp.f32 v2;
	_ =	sdelay $0x2  }
0x116: {  	v2 =	vld [tilespmem:s2+$0xC010];
	_ =	sdelay $0x5  }
0x117: {  	v3 =	vpop (erf)  }
0x118: {  	[tilespmem:s2+$0xD080] =	vst v3  }
0x119: {  	v2 =	vld.idx.msk [tilespmem:v2+s30+$0x0], $0xffff;
	_ =	sdelay $0x4  }
0x11a: {  	(erf) = vrcp.f32 v2;
	_ =	sdelay $0x2  }
0x11b: {  	v2 =	vld [tilespmem:s2+$0xC020];
	_ =	sdelay $0x5  }
0x11c: {  	v3 =	vpop (erf)  }
0x11d: {  	[tilespmem:s2+$0xD090] =	vst v3  }
0x11e: {  	v2 =	vld.idx.msk [tilespmem:v2+s30+$0x0], $0xffff;
	_ =	sdelay $0x4  }
0x11f: {  	(erf) = vrcp.f32 v2;
	_ =	sdelay $0x2  }
0x120: {  	v2 =	vld [tilespmem:s2+$0xC030];
	_ =	sdelay $0x5  }
0x121: {  	v3 =	vpop (erf)  }
0x122: {  	[tilespmem:s2+$0xD0A0] =	vst v3  }
0x123: {  	v2 =	vld.idx.msk [tilespmem:v2+s30+$0x0], $0xffff;
	_ =	sdelay $0x4  }
0x124: {  	(erf) = vrcp.f32 v2;
	_ =	sdelay $0x2  }
0x125: {  	v2 =	vld [tilespmem:s2+$0xC040];
	_ =	sdelay $0x5  }
0x126: {  	v3 =	vpop (erf)  }
0x127: {  	[tilespmem:s2+$0xD0B0] =	vst v3  }
0x128: {  	v2 =	vld.idx.msk [tilespmem:v2+s30+$0x0], $0xffff;
	_ =	sdelay $0x4  }
0x129: {  	(erf) = vrcp.f32 v2;
	_ =	sdelay $0x2  }
0x12a: {  	v2 =	vld [tilespmem:s2+$0xC050];
	_ =	sdelay $0x5  }
0x12b: {  	v3 =	vpop (erf)  }
0x12c: {  	[tilespmem:s2+$0xD0C0] =	vst v3  }
0x12d: {  	v2 =	vld.idx.msk [tilespmem:v2+s30+$0x0], $0xffff;
	_ =	sdelay $0x4  }
0x12e: {  	(erf) = vrcp.f32 v2;
	_ =	sdelay $0x2  }
0x12f: {  	v2 =	vld [tilespmem:s2+$0xC060];
	_ =	sdelay $0x5  }
0x130: {  	v3 =	vpop (erf)  }
0x131: {  	[tilespmem:s2+$0xD0D0] =	vst v3  }
0x132: {  	v2 =	vld.idx.msk [tilespmem:v2+s30+$0x0], $0xffff;
	_ =	sdelay $0x4  }
0x133: {  	(erf) = vrcp.f32 v2;
	_ =	sdelay $0x2  }
0x134: {  	v2 =	vld [tilespmem:s2+$0xC070];
	_ =	sdelay $0x5  }
0x135: {  	v3 =	vpop (erf)  }
0x136: {  	[tilespmem:s2+$0xD0E0] =	vst v3  }
0x137: {  	v2 =	vld.idx.msk [tilespmem:v2+s30+$0x0], $0xffff;
	_ =	sdelay $0x4  }
0x138: {  	(erf) = vrcp.f32 v2;
	_ =	sdelay $0x1  }
0x139: {  	s18 =	simm.s32 $0x80;
	s17 =	simm.s32 $0x400  }
.LBB2_8:
0x13a: {  	p1 =	sne.s32 s17, $0x1E00;
	v2 =	vld [tilespmem:s18+$0xC000];
	_ =	sdelay $0x5  }
0x13b: {  	v3 =	vpop (erf)  }
0x13c: {  	[tilespmem:s2+$0xD0F0] =	vst v3;
	s2 =	smov.u32 s18  }
0x13d: {  	v2 =	vld.idx.msk [tilespmem:v2+s30+$0x0], $0xffff;
	_ =	sdelay $0x5  }
0x13e: {  	(erf) = vrcp.f32 v2;
	_ =	sdelay $0x2  }
0x13f: {  	v2 =	vld [tilespmem:s2+$0xC010];
	_ =	sdelay $0x5  }
0x140: {  	v3 =	vpop (erf)  }
0x141: {  	[tilespmem:s2+$0xD080] =	vst v3  }
0x142: {  	v2 =	vld.idx.msk [tilespmem:v2+s30+$0x0], $0xffff;
	_ =	sdelay $0x5  }
0x143: {  	(erf) = vrcp.f32 v2;
	_ =	sdelay $0x2  }
0x144: {  	v2 =	vld [tilespmem:s2+$0xC020];
	_ =	sdelay $0x5  }
0x145: {  	v3 =	vpop (erf)  }
0x146: {  	[tilespmem:s2+$0xD090] =	vst v3  }
0x147: {  	v2 =	vld.idx.msk [tilespmem:v2+s30+$0x0], $0xffff;
	_ =	sdelay $0x5  }
0x148: {  	(erf) = vrcp.f32 v2;
	_ =	sdelay $0x2  }
0x149: {  	v2 =	vld [tilespmem:s2+$0xC030];
	_ =	sdelay $0x5  }
0x14a: {  	v3 =	vpop (erf)  }
0x14b: {  	[tilespmem:s2+$0xD0A0] =	vst v3  }
0x14c: {  	v2 =	vld.idx.msk [tilespmem:v2+s30+$0x0], $0xffff;
	_ =	sdelay $0x5  }
0x14d: {  	(erf) = vrcp.f32 v2;
	_ =	sdelay $0x2  }
0x14e: {  	v2 =	vld [tilespmem:s2+$0xC040];
	_ =	sdelay $0x5  }
0x14f: {  	v3 =	vpop (erf)  }
0x150: {  	[tilespmem:s2+$0xD0B0] =	vst v3  }
0x151: {  	v2 =	vld.idx.msk [tilespmem:v2+s30+$0x0], $0xffff;
	_ =	sdelay $0x5  }
0x152: {  	(erf) = vrcp.f32 v2;
	_ =	sdelay $0x2  }
0x153: {  	v2 =	vld [tilespmem:s2+$0xC050];
	_ =	sdelay $0x5  }
0x154: {  	v3 =	vpop (erf)  }
0x155: {  	[tilespmem:s2+$0xD0C0] =	vst v3  }
0x156: {  	v2 =	vld.idx.msk [tilespmem:v2+s30+$0x0], $0xffff;
	_ =	sdelay $0x5  }
0x157: {  	(erf) = vrcp.f32 v2;
	_ =	sdelay $0x2  }
0x158: {  	v2 =	vld [tilespmem:s2+$0xC060];
	_ =	sdelay $0x5  }
0x159: {  	v3 =	vpop (erf)  }
0x15a: {  	[tilespmem:s2+$0xD0D0] =	vst v3  }
0x15b: {  	v2 =	vld.idx.msk [tilespmem:v2+s30+$0x0], $0xffff;
	_ =	sdelay $0x5  }
0x15c: {  	(erf) = vrcp.f32 v2;
	_ =	sdelay $0x2  }
0x15d: {  	v2 =	vld [tilespmem:s2+$0xC070];
	_ =	sdelay $0x5  }
0x15e: {  	v3 =	vpop (erf)  }
0x15f: {  	[tilespmem:s2+$0xD0E0] =	vst v3  }
0x160: {  	v2 =	vld.idx.msk [tilespmem:v2+s30+$0x0], $0xffff;
	_ =	sdelay $0x3  }
.Ltmp3:
0x161: {  	(pc) =	sbr.rel @p1 .LBB2_8-.Ltmp3, $3  }
0x162: {  	_ = 	snop  }
0x163: {  	(erf) = vrcp.f32 v2;
	_ =	sdelay $0x1  }
0x164: {  	s18 =	sshra.s32 s17, $0x2;
	s17 =	sadd.s32 $0x200, s17  }
0x165: {  	v2 =	vld [tilespmem:s18+$0xC000];
	_ =	sdelay $0x5  }
0x166: {  	v3 =	vpop (erf)  }
0x167: {  	[tilespmem:s2+$0xD0F0] =	vst v3  }
0x168: {  	v2 =	vld.idx.msk [tilespmem:v2+s30+$0x0], $0xffff;
	_ =	sdelay $0x4  }
0x169: {  	(erf) = vrcp.f32 v2;
	_ =	sdelay $0x2  }
0x16a: {  	v2 =	vld [tilespmem:s18+$0xC010];
	_ =	sdelay $0x5  }
0x16b: {  	v3 =	vpop (erf)  }
0x16c: {  	[tilespmem:s18+$0xD080] =	vst v3  }
0x16d: {  	v2 =	vld.idx.msk [tilespmem:v2+s30+$0x0], $0xffff;
	_ =	sdelay $0x4  }
0x16e: {  	(erf) = vrcp.f32 v2;
	_ =	sdelay $0x2  }
0x16f: {  	v2 =	vld [tilespmem:s18+$0xC020];
	_ =	sdelay $0x5  }
0x170: {  	v3 =	vpop (erf)  }
0x171: {  	[tilespmem:s18+$0xD090] =	vst v3  }
0x172: {  	v2 =	vld.idx.msk [tilespmem:v2+s30+$0x0], $0xffff;
	_ =	sdelay $0x4  }
0x173: {  	(erf) = vrcp.f32 v2;
	_ =	sdelay $0x2  }
0x174: {  	v2 =	vld [tilespmem:s18+$0xC030];
	_ =	sdelay $0x5  }
0x175: {  	v3 =	vpop (erf)  }
0x176: {  	[tilespmem:s18+$0xD0A0] =	vst v3  }
0x177: {  	v2 =	vld.idx.msk [tilespmem:v2+s30+$0x0], $0xffff;
	_ =	sdelay $0x4  }
0x178: {  	(erf) = vrcp.f32 v2;
	_ =	sdelay $0x2  }
0x179: {  	v2 =	vld [tilespmem:s18+$0xC040];
	_ =	sdelay $0x5  }
0x17a: {  	v3 =	vpop (erf)  }
0x17b: {  	[tilespmem:s18+$0xD0B0] =	vst v3  }
0x17c: {  	v2 =	vld.idx.msk [tilespmem:v2+s30+$0x0], $0xffff;
	_ =	sdelay $0x4  }
0x17d: {  	(erf) = vrcp.f32 v2;
	_ =	sdelay $0x2  }
0x17e: {  	v2 =	vld [tilespmem:s18+$0xC050];
	_ =	sdelay $0x5  }
0x17f: {  	v3 =	vpop (erf)  }
0x180: {  	[tilespmem:s18+$0xD0C0] =	vst v3  }
0x181: {  	v2 =	vld.idx.msk [tilespmem:v2+s30+$0x0], $0xffff;
	_ =	sdelay $0x4  }
0x182: {  	(erf) = vrcp.f32 v2;
	_ =	sdelay $0x2  }
0x183: {  	v2 =	vld [tilespmem:s18+$0xC060];
	_ =	sdelay $0x5  }
0x184: {  	v3 =	vpop (erf)  }
0x185: {  	[tilespmem:s18+$0xD0D0] =	vst v3  }
0x186: {  	v2 =	vld.idx.msk [tilespmem:v2+s30+$0x0], $0xffff;
	_ =	sdelay $0x4  }
0x187: {  	(erf) = vrcp.f32 v2;
	_ =	sdelay $0x2  }
0x188: {  	v2 =	vld [tilespmem:s18+$0xC070];
	_ =	sdelay $0x5  }
0x189: {  	v3 =	vpop (erf)  }
0x18a: {  	[tilespmem:s18+$0xD0E0] =	vst v3  }
0x18b: {  	v2 =	vld.idx.msk [tilespmem:v2+s30+$0x0], $0xffff;
	_ =	sdelay $0x4  }
0x18c: {  	(erf) = vrcp.f32 v2;
	_ =	sdelay $0x8  }
0x18d: {  	v2 =	vpop (erf)  }
0x18e: {  	[tilespmem:s18+$0xD0F0] =	vst v2  }
0x18f: {  	_ =	swait.ge [sflag:s4], $0x8000  }
0x190: {  	[sflag:s4] =	ssyncset.done $0x0  }
0x191: {  	s18 =	simm.s32 $0x0;
	[sflag:s4] =	ssyncadd.s32 $0xFFFF8000  }
0x192: {  	s22 =	sand.u32 $0x1E00, s18;
	_ =	swait.ge [sflag:s1], $0x4000  }
0x193: {  	s17 =	sand.u32 $0x70, s18;
	s2 =	sshrl.u32 s22, $0x2;
	[sflag:s1] =	ssyncset.done $0x0  }
0x194: {  	s2 =	sor.u32 s17, s2;
	[sflag:s1] =	ssyncadd.s32 $0xFFFFC000  }
0x195: {  	v2 =	vld [tilespmem:s2+$0xC000];
	_ =	sdelay $0x4  }
0x196: {  	v3 =	vshll.u32 v2, $0x3  }
0x197: {  	v2 =	vand.u32 $0x7F, v2;
	v3 =	vand.u32 $0xFFFFFC00, v3  }
0x198: {  	s23 =	sand.u32 $0x3C00, s18;
	v3 =	vor.u32 v2, v3  }
0x199: {  	s19 =	sor.u32 s17, s23;
	v2 =	vor.u32 $0x80, v3  }
0x19a: {  	v5 =	vld [tilespmem:s19+$0x0];
	v4 =	vor.u32 $0x100, v3  }
0x19b: {  	v6 =	vld [tilespmem:s19+$0x80]  }
0x19c: {  	v11 =	vld [tilespmem:s19+$0x100];
	v8 =	vor.u32 $0x180, v3  }
0x19d: {  	v7 =	vld.idx.msk [tilespmem:v3+s16+$0x0], $0xffff  }
0x19e: {  	v10 =	vor.u32 $0x200, v3;
	v2 =	vld.idx.msk [tilespmem:v2+s16+$0x0], $0xffff  }
0x19f: {  	v12 =	vor.u32 $0x280, v3;
	v9 =	vld.idx.msk [tilespmem:v4+s16+$0x0], $0xffff  }
0x1a0: {  	v13 =	vld [tilespmem:s19+$0x180]  }
0x1a1: {  	v8 =	vld.idx.msk [tilespmem:v8+s16+$0x0], $0xffff  }
0x1a2: {  	v14 =	vor.u32 $0x300, v3;
	v5 =	vsub.f32 v5, v7;
	v7 =	vld [tilespmem:s19+$0x200]  }
0x1a3: {  	v2 =	vsub.f32 v6, v2;
	v6 =	vld.idx.msk [tilespmem:v10+s16+$0x0], $0xffff  }
0x1a4: {  	s24 =	sand.u32 $0x7, s18;
	v9 =	vsub.f32 v11, v9;
	v11 =	vld.idx.msk [tilespmem:v12+s16+$0x0], $0xffff  }
0x1a5: {  	s2 =	sshll.u32 s24, $0x4;
	v10 =	vor.u32 $0x380, v3;
	v12 =	vld [tilespmem:s19+$0x280];
	v5 =	vmul.f32 v5, v5;
	v2 =	vmul.f32 v2, v2  }
0x1a6: {  	s2 =	sadd.s32 $0x0, s2;
	v8 =	vsub.f32 v13, v8;
	v13 =	vld [tilespmem:s19+$0x300]  }
0x1a7: {  	s2 =	sor.u32 $0x380, s2;
	v15 =	vadd.s32 $0x2000, v3;
	v2 =	vadd.f32 v2, v5;
	v5 =	vmul.f32 v9, v9;
	v9 =	vld.idx.msk [tilespmem:v14+s16+$0x0], $0xffff  }
0x1a8: {  	v17 =	vld [tilespmem:s2+$0x0];
	v14 =	vadd.s32 $0x2080, v3  }
0x1a9: {  	s17 =	simm.s32 $0x40;
	v4 =	vld [tilespmem:s19+$0x4080];
	v6 =	vsub.f32 v7, v6;
	v2 =	vadd.f32 v5, v2;
	v5 =	vmul.f32 v8, v8  }
0x1aa: {  	s25 =	simm.s32 $0x10;
	s22 =	sand.u32 $0x1E00, s17;
	v18 =	vadd.s32 $0x2100, v3;
	v16 =	vld.idx.msk [tilespmem:v10+s16+$0x0], $0xffff  }
0x1ab: {  	s26 =	sshrl.u32 s22, $0x2;
	s24 =	sand.u32 $0x70, s25;
	v7 =	vsub.f32 v12, v11;
	v8 =	vld [tilespmem:s19+$0x4000];
	v2 =	vadd.f32 v5, v2;
	v5 =	vmul.f32 v6, v6  }
0x1ac: {  	s2 =	sor.u32 s24, s26;
	v6 =	vld.idx.msk [tilespmem:v15+s16+$0x0], $0xffff;
	v11 =	vsub.f32 v13, v9;
	v13 =	vadd.s32 $0x2180, v3  }
0x1ad: {  	v12 =	vld [tilespmem:s2+$0xC000];
	v10 =	vmul.f32 v7, v7;
	v5 =	vadd.f32 v5, v2  }
0x1ae: {  	v7 =	vld.idx.msk [tilespmem:v14+s16+$0x0], $0xffff;
	v14 =	vadd.s32 $0x2200, v3;
	v2 =	vimm.f32 $0.0e+00  }
0x1af: {  	s23 =	simm.s32 $0x20;
	s22 =	simm.s32 $0x0;
	s2 =	simm.s32 $0x0;
	v9 =	vadd.f32 v10, v5;
	v10 =	vmul.f32 v11, v11;
	v11 =	vsub.f32 v17, v16;
	v5 =	vld.idx.msk [tilespmem:v18+s16+$0x0], $0xffff  }
.LBB2_10:
0x1b0: {  	p1 =	sne.s32 s23, $0x7F0;
	v15 =	vld [tilespmem:s19+$0x4100];
	v16 =	vadd.s32 $0x2280, v3  }
0x1b1: {  	v9 =	vadd.f32 v10, v9;
	v10 =	vmul.f32 v11, v11;
	v6 =	vsub.f32 v8, v6;
	v8 =	vld.idx.msk [tilespmem:v13+s16+$0x0], $0xffff  }
0x1b2: {  	v13 =	vadd.s32 $0x2300, v3;
	v11 =	vld [tilespmem:s19+$0x4180]  }
0x1b3: {  	v4 =	vsub.f32 v4, v7;
	v9 =	vadd.f32 v10, v9;
	v6 =	vmul.f32 v6, v6;
	v7 =	vld.idx.msk [tilespmem:v14+s16+$0x0], $0xffff  }
0x1b4: {  	v17 =	vadd.s32 $0x2380, v3;
	v10 =	vshll.u32 v12, $0x3;
	v14 =	vld [tilespmem:s19+$0x4200]  }
0x1b5: {  	v4 =	vmul.f32 v4, v4;
	v3 =	vadd.f32 v6, v9;
	v5 =	vsub.f32 v15, v5;
	v6 =	vld.idx.msk [tilespmem:v16+s16+$0x0], $0xffff  }
0x1b6: {  	v10 =	vand.u32 $0xFFFFFC00, v10;
	v9 =	vand.u32 $0x7F, v12;
	v12 =	vld [tilespmem:s19+$0x4280]  }
0x1b7: {  	v4 =	vadd.f32 v4, v3;
	v5 =	vmul.f32 v5, v5;
	v8 =	vsub.f32 v11, v8;
	v11 =	vld.idx.msk [tilespmem:v13+s16+$0x0], $0xffff  }
0x1b8: {  	v3 =	vor.u32 v9, v10;
	v9 =	vld [tilespmem:s19+$0x4300]  }
0x1b9: {  	s18 =	sadd.s32 $0x80, s18;
	v4 =	vadd.f32 v5, v4;
	v5 =	vmul.f32 v8, v8;
	v7 =	vsub.f32 v14, v7;
	v8 =	vld.idx.msk [tilespmem:v17+s16+$0x0], $0xffff  }
0x1ba: {  	s26 =	sshra.s32 s2, $0x2;
	s2 =	smov.u32 s17;
	s25 =	sand.u32 $0x3C00, s18;
	v10 =	vor.u32 $0x80, v3;
	v13 =	vor.u32 $0x100, v3;
	v14 =	vld [tilespmem:s19+$0x4380]  }
0x1bb: {  	s19 =	sor.u32 s24, s25;
	v15 =	vld [tilespmem:s26+$0xD080];
	v4 =	vadd.f32 v5, v4;
	v5 =	vmul.f32 v7, v7;
	v6 =	vsub.f32 v12, v6  }
0x1bc: {  	v7 =	vld [tilespmem:s19+$0x0]  }
0x1bd: {  	v12 =	vld [tilespmem:s19+$0x80];
	v4 =	vadd.f32 v5, v4;
	v5 =	vmul.f32 v6, v6;
	v6 =	vsub.f32 v9, v11  }
0x1be: {  	v11 =	vor.u32 $0x180, v3;
	v9 =	vld.idx.msk [tilespmem:v3+s16+$0x0], $0xffff  }
0x1bf: {  	v10 =	vld.idx.msk [tilespmem:v10+s16+$0x0], $0xffff;
	v4 =	vadd.f32 v5, v4;
	v5 =	vmul.f32 v6, v6;
	v6 =	vsub.f32 v14, v8  }
0x1c0: {  	v8 =	vld.idx.msk [tilespmem:v13+s16+$0x0], $0xffff;
	v13 =	vor.u32 $0x200, v3  }
0x1c1: {  	v14 =	vld [tilespmem:s19+$0x100];
	v5 =	vadd.f32 v5, v4;
	v6 =	vmul.f32 v6, v6  }
0x1c2: {  	v16 =	vor.u32 $0x280, v3;
	v4 =	vld [tilespmem:s19+$0x4080]  }
0x1c3: {  	v11 =	vld.idx.msk [tilespmem:v11+s16+$0x0], $0xffff;
	v5 =	vadd.f32 v6, v5  }
0x1c4: {  	v17 =	vor.u32 $0x300, v3;
	v6 =	vld [tilespmem:s19+$0x180]  }
0x1c5: {  	v7 =	vsub.f32 v7, v9;
	v9 =	vsub.f32 v12, v10;
	v10 =	vld.idx.msk [tilespmem:v13+s16+$0x0], $0xffff;
	v5 =	vmul.f32 v5, v15  }
0x1c6: {  	v13 =	vor.u32 $0x380, v3;
	v8 =	vsub.f32 v14, v8;
	v12 =	vld [tilespmem:s19+$0x200]  }
0x1c7: {  	s22 =	sadd.s32 $0x1, s22;
	v7 =	vmul.f32 v7, v7;
	v9 =	vmul.f32 v9, v9;
	v14 =	vld.idx.msk [tilespmem:v16+s16+$0x0], $0xffff;
	v2 =	vadd.f32 v5, v2  }
0x1c8: {  	s24 =	sand.u32 $0x7, s22;
	v15 =	vadd.s32 $0x2000, v3;
	v5 =	vld [tilespmem:s19+$0x280]  }
0x1c9: {  	s24 =	sshll.u32 s24, $0x4;
	v7 =	vadd.f32 v9, v7;
	v8 =	vmul.f32 v8, v8;
	v6 =	vsub.f32 v6, v11;
	v9 =	vld.idx.msk [tilespmem:v17+s16+$0x0], $0xffff  }
0x1ca: {  	s24 =	sadd.s32 s24, s18;
	v16 =	vadd.s32 $0x2080, v3;
	v11 =	vld [tilespmem:s19+$0x300]  }
0x1cb: {  	s24 =	sor.u32 $0x380, s24;
	v7 =	vadd.f32 v8, v7;
	v6 =	vmul.f32 v6, v6;
	v8 =	vsub.f32 v12, v10;
	v17 =	vld.idx.msk [tilespmem:v13+s16+$0x0], $0xffff  }
0x1cc: {  	s17 =	sadd.s32 $0x40, s17;
	v19 =	vadd.s32 $0x2100, v3;
	v18 =	vld [tilespmem:s24+$0x0]  }
.Ltmp4:
0x1cd: {  	s25 =	sand.u32 $0x1E00, s17;
	v7 =	vadd.f32 v6, v7;
	v10 =	vmul.f32 v8, v8;
	v5 =	vsub.f32 v5, v14;
	v6 =	vld.idx.msk [tilespmem:v15+s16+$0x0], $0xffff;
	(pc) =	sbr.rel @p1 .LBB2_10-.Ltmp4, $4  }
0x1ce: {  	s25 =	sshrl.u32 s25, $0x2;
	v13 =	vadd.s32 $0x2180, v3;
	s24 =	sand.u32 $0x70, s23;
	v8 =	vld [tilespmem:s19+$0x4000]  }
0x1cf: {  	s25 =	sor.u32 s24, s25;
	v10 =	vadd.f32 v10, v7;
	v5 =	vmul.f32 v5, v5;
	v11 =	vsub.f32 v11, v9;
	v7 =	vld.idx.msk [tilespmem:v16+s16+$0x0], $0xffff  }
0x1d0: {  	v14 =	vadd.s32 $0x2200, v3;
	v12 =	vld [tilespmem:s25+$0xC000]  }
0x1d1: {  	s23 =	sadd.s32 $0x10, s23;
	v9 =	vadd.f32 v5, v10;
	v10 =	vmul.f32 v11, v11;
	v11 =	vsub.f32 v18, v17;
	v5 =	vld.idx.msk [tilespmem:v19+s16+$0x0], $0xffff  }
0x1d2: {  	_ =	sdelay $0x2  }
0x1d3: {  	v15 =	vld [tilespmem:s19+$0x4100]  }
0x1d4: {  	v13 =	vld.idx.msk [tilespmem:v13+s16+$0x0], $0xffff  }
0x1d5: {  	v17 =	vld [tilespmem:s19+$0x4180]  }
0x1d6: {  	v14 =	vld.idx.msk [tilespmem:v14+s16+$0x0], $0xffff  }
0x1d7: {  	v20 =	vld [tilespmem:s19+$0x4200]  }
0x1d8: {  	v21 =	vld [tilespmem:s19+$0x4280];
	s23 =	sadd.s32 $0x80, s18  }
0x1d9: {  	v22 =	vld [tilespmem:s19+$0x4300];
	s18 =	sand.u32 $0x3C00, s23;
	v19 =	vshll.u32 v12, $0x3  }
0x1da: {  	v30 =	vld [tilespmem:s19+$0x4380];
	s18 =	sor.u32 s24, s18;
	v44 =	vand.u32 $0x7F, v12;
	v19 =	vand.u32 $0xFFFFFC00, v19  }
0x1db: {  	v24 =	vld [tilespmem:s18+$0x0];
	v12 =	vor.u32 v44, v19  }
0x1dc: {  	v25 =	vld [tilespmem:s18+$0x80];
	v19 =	vor.u32 $0x80, v12  }
0x1dd: {  	v29 =	vld [tilespmem:s18+$0x100]  }
0x1de: {  	v32 =	vld [tilespmem:s18+$0x180];
	v23 =	vor.u32 $0x100, v12  }
0x1df: {  	v46 =	vld [tilespmem:s18+$0x200]  }
0x1e0: {  	v27 =	vor.u32 $0x180, v12;
	v26 =	vld.idx.msk [tilespmem:v12+s16+$0x0], $0xffff  }
0x1e1: {  	v19 =	vld.idx.msk [tilespmem:v19+s16+$0x0], $0xffff  }
0x1e2: {  	v49 =	vld [tilespmem:s18+$0x280];
	v28 =	vor.u32 $0x200, v12  }
0x1e3: {  	v23 =	vld.idx.msk [tilespmem:v23+s16+$0x0], $0xffff  }
0x1e4: {  	v52 =	vld [tilespmem:s18+$0x300];
	v31 =	vor.u32 $0x280, v12  }
0x1e5: {  	v27 =	vld.idx.msk [tilespmem:v27+s16+$0x0], $0xffff  }
0x1e6: {  	v60 =	vld [tilespmem:s18+$0x4000];
	v33 =	vor.u32 $0x300, v12;
	v24 =	vsub.f32 v24, v26;
	v19 =	vsub.f32 v25, v19  }
0x1e7: {  	s25 =	sadd.s32 $0x1, s22;
	v47 =	vor.u32 $0x380, v12;
	v45 =	vld.idx.msk [tilespmem:v28+s16+$0x0], $0xffff  }
0x1e8: {  	s19 =	sand.u32 $0x7, s25;
	v63 =	vld [tilespmem:s18+$0x4080];
	v23 =	vsub.f32 v29, v23;
	v24 =	vmul.f32 v24, v24;
	v19 =	vmul.f32 v19, v19  }
0x1e9: {  	v16 =	vadd.s32 $0x2280, v3;
	s19 =	sshll.u32 s19, $0x4;
	v50 =	vadd.s32 $0x2000, v12;
	v48 =	vld.idx.msk [tilespmem:v31+s16+$0x0], $0xffff  }
0x1ea: {  	s19 =	sadd.s32 s19, s23;
	v34 =	vld [tilespmem:s18+$0x4100];
	v27 =	vsub.f32 v32, v27;
	v23 =	vmul.f32 v23, v23;
	v19 =	vadd.f32 v19, v24  }
0x1eb: {  	v18 =	vadd.s32 $0x2300, v3;
	v3 =	vadd.s32 $0x2380, v3;
	s19 =	sor.u32 $0x380, s19;
	v53 =	vadd.s32 $0x2080, v12;
	v51 =	vld.idx.msk [tilespmem:v33+s16+$0x0], $0xffff  }
0x1ec: {  	v56 =	vld [tilespmem:s19+$0x0];
	v25 =	vsub.f32 v46, v45;
	v27 =	vmul.f32 v27, v27;
	v19 =	vadd.f32 v23, v19  }
0x1ed: {  	v9 =	vadd.f32 v10, v9;
	v55 =	vmul.f32 v11, v11;
	v57 =	vadd.s32 $0x2100, v12;
	v54 =	vld.idx.msk [tilespmem:v47+s16+$0x0], $0xffff  }
0x1ee: {  	v36 =	vld [tilespmem:s18+$0x4180];
	v58 =	vsub.f32 v49, v48;
	v25 =	vmul.f32 v25, v25;
	v19 =	vadd.f32 v27, v19  }
0x1ef: {  	v6 =	vsub.f32 v8, v6;
	v4 =	vsub.f32 v4, v7;
	v61 =	vadd.s32 $0x2180, v12;
	v24 =	vld.idx.msk [tilespmem:v50+s16+$0x0], $0xffff  }
0x1f0: {  	v39 =	vld [tilespmem:s18+$0x4200];
	v62 =	vsub.f32 v52, v51;
	v27 =	vmul.f32 v58, v58;
	v19 =	vadd.f32 v25, v19  }
0x1f1: {  	v59 =	vadd.f32 v55, v9;
	v6 =	vmul.f32 v6, v6;
	v31 =	vld.idx.msk [tilespmem:v53+s16+$0x0], $0xffff;
	v32 =	vadd.s32 $0x2200, v12  }
0x1f2: {  	v43 =	vld [tilespmem:s18+$0x4280];
	v11 =	vsub.f32 v56, v54;
	v25 =	vmul.f32 v62, v62;
	v19 =	vadd.f32 v27, v19  }
0x1f3: {  	v4 =	vmul.f32 v4, v4;
	v6 =	vadd.f32 v6, v59;
	v35 =	vadd.s32 $0x2280, v12;
	v33 =	vld.idx.msk [tilespmem:v57+s16+$0x0], $0xffff  }
0x1f4: {  	v16 =	vld.idx.msk [tilespmem:v16+s16+$0x0], $0xffff;
	v11 =	vmul.f32 v11, v11;
	v9 =	vsub.f32 v60, v24;
	v19 =	vadd.f32 v25, v19  }
0x1f5: {  	v5 =	vsub.f32 v15, v5;
	v13 =	vsub.f32 v17, v13;
	v37 =	vadd.s32 $0x2300, v12;
	v10 =	vld.idx.msk [tilespmem:v61+s16+$0x0], $0xffff  }
0x1f6: {  	v18 =	vld.idx.msk [tilespmem:v18+s16+$0x0], $0xffff;
	v7 =	vsub.f32 v63, v31;
	v9 =	vmul.f32 v9, v9;
	v11 =	vadd.f32 v11, v19  }
0x1f7: {  	v4 =	vadd.f32 v4, v6;
	v5 =	vmul.f32 v5, v5;
	v12 =	vadd.s32 $0x2380, v12;
	v38 =	vld.idx.msk [tilespmem:v32+s16+$0x0], $0xffff  }
0x1f8: {  	v3 =	vld.idx.msk [tilespmem:v3+s16+$0x0], $0xffff;
	v8 =	vsub.f32 v34, v33;
	v7 =	vmul.f32 v7, v7;
	v9 =	vadd.f32 v9, v11  }
0x1f9: {  	v42 =	vsub.f32 v20, v14;
	v41 =	vmul.f32 v13, v13;
	v4 =	vadd.f32 v5, v4;
	v40 =	vld.idx.msk [tilespmem:v35+s16+$0x0], $0xffff  }
0x1fa: {  	v44 =	vld.idx.msk [tilespmem:v37+s16+$0x0], $0xffff;
	v6 =	vsub.f32 v36, v10;
	v8 =	vmul.f32 v8, v8;
	v7 =	vadd.f32 v7, v9  }
0x1fb: {  	v4 =	vadd.f32 v41, v4;
	v47 =	vld [tilespmem:s18+$0x4300];
	v45 =	vmul.f32 v42, v42;
	v46 =	vsub.f32 v21, v16  }
0x1fc: {  	v51 =	vld [tilespmem:s18+$0x4380];
	v6 =	vmul.f32 v6, v6;
	v48 =	vsub.f32 v39, v38;
	v7 =	vadd.f32 v8, v7  }
0x1fd: {  	v4 =	vadd.f32 v45, v4;
	v49 =	vmul.f32 v46, v46;
	v50 =	vsub.f32 v22, v18;
	v12 =	vld.idx.msk [tilespmem:v12+s16+$0x0], $0xffff  }
0x1fe: {  	v53 =	vsub.f32 v43, v40;
	v52 =	vmul.f32 v48, v48;
	v6 =	vadd.f32 v6, v7  }
0x1ff: {  	v3 =	vsub.f32 v30, v3;
	v4 =	vadd.f32 v49, v4;
	v54 =	vmul.f32 v50, v50  }
0x200: {  	s2 =	sshra.s32 s2, $0x2;
	v56 =	vsub.f32 v47, v44;
	v55 =	vmul.f32 v53, v53;
	v6 =	vadd.f32 v52, v6  }
0x201: {  	v57 =	vld [tilespmem:s2+$0xD080];
	v3 =	vmul.f32 v3, v3;
	v4 =	vadd.f32 v54, v4  }
0x202: {  	s26 =	sshra.s32 s17, $0x2;
	v59 =	vmul.f32 v56, v56;
	v60 =	vsub.f32 v51, v12;
	v58 =	vadd.f32 v55, v6  }
0x203: {  	v61 =	vld [tilespmem:s26+$0xD080]  }
0x204: {  	v3 =	vadd.f32 v3, v4;
	v63 =	vmul.f32 v60, v60;
	v62 =	vadd.f32 v59, v58;
	_ =	sdelay $0x1  }
0x205: {  	v3 =	vmul.f32 v3, v57;
	v4 =	vadd.f32 v63, v62;
	_ =	sdelay $0x1  }
0x206: {  	v2 =	vadd.f32 v3, v2;
	v3 =	vmul.f32 v4, v61;
	_ =	sdelay $0x1  }
0x207: {  	s15 =	sadd.s32 $0x1, s15;
	v2 =	vadd.f32 v3, v2  }
0x208: {  	p1 =	sne.s32 s15, s11  }
.Ltmp5:
0x209: {  	[tilespmem:$0xD900] =	vst v2;
	(pc) =	sbr.rel @p1 .LBB2_1-.Ltmp5, $4  }
0x20a: {  	[hbm4b:s10+s3] =	stream.linear.scatter [tilespmem:s14], [sflag:$0x4], $0x10, $0x38;
	[tilespmem:$0xD9E0] =	vst v63  }
0x20b: {  	_ =	swait.ge [sflag:s13], $0x10  }
0x20c: {  	[sflag:s13] =	ssyncset.done $0x0  }
0x20d: {  	[sflag:s13] =	ssyncadd.s32 $0xFFFFFFF0  }
0x20e: {  	_ =	sfence.sel $0x180000  }
0x20f: {  	[bflag:$0x0] =	sbarrier.arrive $0xFFFF  }
0x210: {  	_ =	strace $0x90000047  }
0x211: {  	[bflag:$0x2] =	sbarrier.arrive $0xFFFF  }
0x212: {  	s0 =	rddreg [dreg:$0x6]  }
0x213: {  	s0 =	sadd.s32 @!p0 $0x100000, s0  }
0x214: {  	[sflag:s0] =	ssyncadd.tile.s32 @!p0 $0x1;
	_ =	shalt  }
.Lfunc_end2:
_tile_overlayer_lowered:
.L_overlay_start_2:
0x215: {  	(tag) =	ssettag $0x2  }
0x216: {  	s0 =	rddreg [dreg:$0x0];
	s2 =	stileid.u32  }
0x217: {  	s1 =	rddreg [dreg:$0x1];
	p0 =	sne.s32 s2, $0x0  }
0x218: {  	s3 =	rddreg [dreg:$0x2];
	[bflag:$0x3] =	sbarrier.arrive $0xFFFF;
	s2 =	simm.s32 @!p0 $0x1C04  }
0x219: {  	[timem:s3], [sflag:s2] =	dma.local @!p0 [hbm:s0], s1  }
0x21a: {  	s0 =	simm.s32 @!p0 $0x4  }
0x21b: {  	_ =	swait.ge @!p0 [sflag:s0], s1  }
0x21c: {  	s1 =	ssub.s32 @!p0 $0x0, s1;
	[sflag:s0] =	ssyncset.done @!p0 $0x0  }
0x21d: {  	[sflag:s0] =	ssyncadd.s32 @!p0 s1  }
0x21e: {  	[bflag:$0x3] =	sbarrier.arrive $0xFFFF  }
0x21f: {  	_ =	shalt  }

</sc_bundles>
